<compile_context>
chip_gen: v7x
topology: tpu7x:2x2x1
jax: 0.10.2.dev20260603
libtpu: 0.0.44.dev20260713+nightly
codegen_flags: <defaults>
</compile_context>

<pallas_src>
import dataclasses
import functools

import jax
import jax.numpy as jnp
from jax import lax
from jax.experimental import pallas as pl
from jax.experimental.pallas import tpu as pltpu
from jax.experimental.pallas import tpu_sc as plsc

N_ROWS = 65536
N_COLS = 65536
NNZ = 4194304

NW = 32
ROWS_W = N_ROWS // NW
CHUNK = 8192
NG = CHUNK // 16
NB = NG // 16
RG = ROWS_W // 16

_mesh = plsc.VectorSubcoreMesh(core_axis_name="c", subcore_axis_name="s")

_cp = pltpu.CompilerParams()
if "needs_layout_passes" in pltpu.CompilerParams.__dataclass_fields__:
    _cp = dataclasses.replace(_cp, needs_layout_passes=False)


@functools.partial(
    pl.kernel,
    out_type=jax.ShapeDtypeStruct((N_ROWS,), jnp.float32),
    mesh=_mesh,
    compiler_params=_cp,
    scratch_types=[
        pltpu.VMEM((N_COLS,), jnp.float32),
        pltpu.VMEM((ROWS_W + 16,), jnp.int32),
        pltpu.VMEM((CHUNK,), jnp.float32),
        pltpu.VMEM((CHUNK,), jnp.int32),
        pltpu.VMEM((CHUNK,), jnp.float32),
        pltpu.VMEM((CHUNK,), jnp.int32),
        pltpu.VMEM((CHUNK,), jnp.float32),
        pltpu.VMEM((NG,), jnp.float32),
        pltpu.VMEM((NB,), jnp.float32),
        pltpu.VMEM((ROWS_W + 16,), jnp.float32),
        pltpu.VMEM((ROWS_W,), jnp.float32),
        pltpu.SemaphoreType.DMA,
        pltpu.SemaphoreType.DMA,
    ],
)
def _spmv_sc(sx_hbm, x_hbm, idx_hbm, ro_hbm, o_hbm,
             x_v, ro_v, sx_v0, ix_v0, sx_v1, ix_v1, s_v, l2_v, l3_v, e_v, y_v,
             sem0, sem1):
    wid = lax.axis_index("c") * 16 + lax.axis_index("s")
    r0 = wid * ROWS_W
    i16 = lax.iota(jnp.int32, 16)

    pltpu.sync_copy(x_hbm, x_v)
    pltpu.sync_copy(ro_hbm.at[pl.ds(r0, ROWS_W + 8)],
                    ro_v.at[pl.ds(0, ROWS_W + 8)])
    s0 = ro_v[pl.ds(0, 16)][0]
    s1 = ro_v[pl.ds(ROWS_W, 16)][0]

    z16 = jnp.zeros((16,), jnp.float32)

    @pl.loop(0, ROWS_W + 16, step=16)
    def _(j):
        e_v[pl.ds(j, 16)] = z16

    k0 = s0 // CHUNK
    k1 = (s1 + CHUNK - 1) // CHUNK

    def start_chunk(k, sxb, ixb, sem):
        @pl.when(k < k1)
        def _():
            a = k * CHUNK
            pltpu.async_copy(sx_hbm.at[pl.ds(a, CHUNK)], sxb, sem)
            pltpu.async_copy(idx_hbm.at[pl.ds(a, CHUNK)], ixb, sem)

    def wait_chunk(do, sxb, ixb, sem):
        @pl.when(do)
        def _():
            pltpu.make_async_copy(sx_hbm.at[pl.ds(0, CHUNK)], sxb, sem).wait()
            pltpu.make_async_copy(idx_hbm.at[pl.ds(0, CHUNK)], ixb, sem).wait()

    def compute_chunk(k, gcur, carry, sxb, ixb):
        a = k * CHUNK

        @plsc.parallel_loop(0, NG, unroll=16)
        def _(j):
            o = j * 16
            iv = ixb[pl.ds(o, 16)]
            sv = sxb[pl.ds(o, 16)]
            g = plsc.load_gather(x_v, [iv])
            s_v[pl.ds(o, 16)] = plsc.cumsum(sv * g)

        @plsc.parallel_loop(0, NB, unroll=2)
        def _(b):
            tot = plsc.load_gather(s_v, [i16 * 16 + (b * 256 + 15)])
            l2 = plsc.cumsum(tot)
            l2_v[pl.ds(b * 16, 16)] = l2 - tot

        def p2b(bb, c2):
            t_ex = plsc.load_gather(l2_v, [i16 * 16 + (bb * 256 + 15)])
            t_g15 = plsc.load_gather(s_v, [i16 * 256 + (bb * 4096 + 255)])
            btot = t_ex + t_g15
            l3 = plsc.cumsum(btot) + c2
            l3_v[pl.ds(bb * 16, 16)] = l3 - btot
            return l3[15]

        carry = lax.fori_loop(0, NB // 16, p2b, carry)

        def prefix_at(gi):
            return (plsc.load_gather(s_v, [gi])
                    + plsc.load_gather(l2_v, [lax.shift_right_logical(gi, 4)])
                    + plsc.load_gather(l3_v, [lax.shift_right_logical(gi, 8)]))

        @pl.when(k == k0)
        def _():
            gb = (i16 * 0) + jnp.clip(s0 - 1 - a, 0, CHUNK - 1)
            pb = prefix_at(gb)
            e_v[pl.ds(0, 16)] = jnp.where((i16 == 15) & (s0 > a), pb, 0.0)

        cend = a + CHUNK

        def ext_cond(st2):
            g, stop = st2
            return jnp.logical_and(jnp.logical_not(stop), g < RG)

        def ext_body(st2):
            g, _ = st2
            tfirst = ro_v[pl.ds(g * 16, 16)][1]
            do = tfirst <= cend

            @pl.when(do)
            def _():
                t = plsc.load_gather(ro_v, [i16 + (1 + g * 16)])
                m = (t > a) & (t <= cend)
                gi = jnp.clip(t - 1 - a, 0, CHUNK - 1)
                pv = prefix_at(gi)
                eo = e_v[pl.ds(16 + g * 16, 16)]
                e_v[pl.ds(16 + g * 16, 16)] = jnp.where(m, pv, eo)

            return (jnp.where(do, g + 1, g), jnp.logical_not(do))

        gend, _ = lax.while_loop(ext_cond, ext_body,
                                 (gcur, jnp.asarray(False)))
        return jnp.maximum(gcur, gend - 1), carry

    def guarded_compute(k, gcur, carry, sxb, ixb):
        return lax.cond(
            k < k1,
            lambda: compute_chunk(k, gcur, carry, sxb, ixb),
            lambda: (gcur, carry),
        )

    start_chunk(k0, sx_v0, ix_v0, sem0)
    start_chunk(k0 + 1, sx_v1, ix_v1, sem1)

    def pair_body(i, st):
        gcur, carry = st
        ka = k0 + 2 * i
        kb = ka + 1
        wait_chunk(ka < k1, sx_v0, ix_v0, sem0)
        gcur, carry = guarded_compute(ka, gcur, carry, sx_v0, ix_v0)
        start_chunk(ka + 2, sx_v0, ix_v0, sem0)
        wait_chunk(kb < k1, sx_v1, ix_v1, sem1)
        gcur, carry = guarded_compute(kb, gcur, carry, sx_v1, ix_v1)
        start_chunk(kb + 2, sx_v1, ix_v1, sem1)
        return (gcur, carry)

    npairs = (k1 - k0 + 1) // 2
    lax.fori_loop(0, npairs, pair_body, (jnp.int32(0), jnp.float32(0.0)))

    @pl.loop(0, ROWS_W, step=16)
    def _(j):
        av = e_v[pl.ds(16 + j, 16)]
        bv = plsc.load_gather(e_v, [i16 + (15 + j)])
        y_v[pl.ds(j, 16)] = av - bv

    pltpu.sync_copy(y_v, o_hbm.at[pl.ds(r0, ROWS_W)])


def kernel(sx, x, y, selector_idx, row_end_offsets):
    del y
    ro_pad = jnp.concatenate(
        [row_end_offsets, jnp.broadcast_to(row_end_offsets[-1:], (7,))])
    return _spmv_sc(sx, x, selector_idx, ro_pad)

# --- scband reference (transcript-rebuilt; emitter-appended) ---
"""Pipeline reference for scband-spmv-cuda-wrapper-78597901516910 (READ-ONLY COPY).

The authoritative reference and input builder live on the scoring server;
editing this copy changes nothing except your own understanding.
"""

import jax, jax.numpy as jnp
import numpy as np

N_ROWS = 65536
N_COLS = 65536
NNZ = 4194304


def setup_inputs(seed: int = 0) -> dict:
    key = jax.random.key(seed)
    k1, k2, k3, k4 = jax.random.split(key, 4)
    sx = jax.random.normal(k1, (NNZ,), dtype=jnp.float32)
    x = jax.random.normal(k2, (N_COLS,), dtype=jnp.float32)
    y = jnp.zeros((N_ROWS,), dtype=jnp.float32)
    selector_idx = jax.random.randint(k3, (NNZ,), 0, N_COLS, dtype=jnp.int32)
    inner = jnp.sort(jax.random.randint(k4, (N_ROWS - 1,), 0, NNZ + 1, dtype=jnp.int32))
    row_end_offsets = jnp.concatenate([
        jnp.zeros((1,), dtype=jnp.int32),
        inner,
        jnp.full((1,), NNZ, dtype=jnp.int32),
    ])
    return {
        "sx": sx,
        "x": x,
        "y": y,
        "selector_idx": selector_idx,
        "row_end_offsets": row_end_offsets,
    }


def reference(sx, x, y, selector_idx, row_end_offsets):
    # CSR SpMV: y[r] = sum_{i in [ro[r], ro[r+1])} sx[i] * x[selector_idx[i]]
    num_rows = row_end_offsets.shape[0] - 1
    nnz = sx.shape[0]
    gathered = jnp.take(x, selector_idx, axis=0)
    products = sx * gathered
    row_ids = jnp.searchsorted(row_end_offsets, jnp.arange(nnz, dtype=jnp.int32), side='right') - 1
    row_ids = jnp.clip(row_ids, 0, num_rows - 1)
    out = jax.ops.segment_sum(products, row_ids, num_segments=num_rows)
    # mimic y.copy_(outs[0])
    y = y.at[:].set(out)
    return y

if __name__ == "__main__":
    import jax
    _d = setup_inputs()
    print(jax.jit(kernel)(*tuple(_d.values())))

</pallas_src>

<mosaic_0001>
#map = affine_map<(d0, d1) -> (0)>
module attributes {stable_mosaic.version = 14 : i64} {
  func.func @_spmv_sc(%arg0: i32, %arg1: i32, %arg2: memref<4194304xf32, #tpu.memory_space<hbm>>, %arg3: memref<65536xf32, #tpu.memory_space<hbm>>, %arg4: memref<4194304xi32, #tpu.memory_space<hbm>>, %arg5: memref<65544xi32, #tpu.memory_space<hbm>>, %arg6: memref<65536xf32, #tpu.memory_space<hbm>>, %arg7: memref<65536xf32, #tpu.memory_space<vmem>>, %arg8: memref<2064xi32, #tpu.memory_space<vmem>>, %arg9: memref<8192xf32, #tpu.memory_space<vmem>>, %arg10: memref<8192xi32, #tpu.memory_space<vmem>>, %arg11: memref<8192xf32, #tpu.memory_space<vmem>>, %arg12: memref<8192xi32, #tpu.memory_space<vmem>>, %arg13: memref<8192xf32, #tpu.memory_space<vmem>>, %arg14: memref<512xf32, #tpu.memory_space<vmem>>, %arg15: memref<32xf32, #tpu.memory_space<vmem>>, %arg16: memref<2064xf32, #tpu.memory_space<vmem>>, %arg17: memref<2048xf32, #tpu.memory_space<vmem>>, %arg18: memref<!tpu.dma_semaphore, #tpu.memory_space<semaphore_mem>>, %arg19: memref<!tpu.dma_semaphore, #tpu.memory_space<semaphore_mem>>) attributes {dimension_semantics = [#tpu.dimension_semantics<core_parallel>, #tpu.dimension_semantics<subcore_parallel>], iteration_bounds = array<i64: 2, 16>, scalar_prefetch = 0 : i64, scratch_operands = 13 : i64, tpu.core_type = #tpu.core_type<sc_vector_subcore>, window_params = [{transform_indices = #map}, {transform_indices = #map}, {transform_indices = #map}, {transform_indices = #map}, {transform_indices = #map}]} {
    %mul3A = arith.constant 16 : i32
    %mul3A_0 = arith.muli %arg0, %mul3A : i32
    %add3A = arith.addi %mul3A_0, %arg1 : i32
    %mul3A_1 = arith.constant 2048 : i32
    %mul3A_2 = arith.muli %add3A, %mul3A_1 : i32
    %iota3A = tpu.iota {dimensions = array<i32: 0>} : vector<16xi32>
    "tpu.region"() ({
      %run_scoped3A = tpu.sem_alloc : memref<!tpu.dma_semaphore, #tpu.memory_space<semaphore_mem>>
      tpu.enqueue_dma source(%arg3 : memref<65536xf32, #tpu.memory_space<hbm>>) target(%arg7 : memref<65536xf32, #tpu.memory_space<vmem>>) target_semaphore(%run_scoped3A : memref<!tpu.dma_semaphore, #tpu.memory_space<semaphore_mem>>)
      tpu.wait_dma2 semaphore(%run_scoped3A : memref<!tpu.dma_semaphore, #tpu.memory_space<semaphore_mem>>) src(%arg3 : memref<65536xf32, #tpu.memory_space<hbm>>) dst(%arg7 : memref<65536xf32, #tpu.memory_space<vmem>>)
      tpu.yield
    }) : () -> ()
    "tpu.region"() ({
      %run_scoped3A = tpu.sem_alloc : memref<!tpu.dma_semaphore, #tpu.memory_space<semaphore_mem>>
      %dma_start3A = arith.constant 0 : i32
      %dma_start3A_108 = tpu.memref_slice %arg8[%dma_start3A] : memref<2064xi32, #tpu.memory_space<vmem>> -> memref<2056xi32, #tpu.memory_space<vmem>>
      %dma_start3A_109 = tpu.memref_slice %arg5[%mul3A_2] : memref<65544xi32, #tpu.memory_space<hbm>> -> memref<2056xi32, #tpu.memory_space<hbm>>
      %dma_start3A_110 = arith.constant 0 : i32
      %dma_start3A_111 = tpu.memref_slice %arg8[%dma_start3A_110] : memref<2064xi32, #tpu.memory_space<vmem>> -> memref<2056xi32, #tpu.memory_space<vmem>>
      %dma_start3A_112 = tpu.memref_slice %arg5[%mul3A_2] : memref<65544xi32, #tpu.memory_space<hbm>> -> memref<2056xi32, #tpu.memory_space<hbm>>
      tpu.enqueue_dma source(%dma_start3A_112 : memref<2056xi32, #tpu.memory_space<hbm>>) target(%dma_start3A_111 : memref<2056xi32, #tpu.memory_space<vmem>>) target_semaphore(%run_scoped3A : memref<!tpu.dma_semaphore, #tpu.memory_space<semaphore_mem>>)
      %dma_wait3A = arith.constant 0 : i32
      %dma_wait3A_113 = tpu.memref_slice %arg8[%dma_wait3A] : memref<2064xi32, #tpu.memory_space<vmem>> -> memref<2056xi32, #tpu.memory_space<vmem>>
      %dma_wait3A_114 = tpu.memref_slice %arg5[%mul3A_2] : memref<65544xi32, #tpu.memory_space<hbm>> -> memref<2056xi32, #tpu.memory_space<hbm>>
      %dma_wait3A_115 = arith.constant 0 : i32
      %dma_wait3A_116 = tpu.memref_slice %arg8[%dma_wait3A_115] : memref<2064xi32, #tpu.memory_space<vmem>> -> memref<2056xi32, #tpu.memory_space<vmem>>
      %dma_wait3A_117 = tpu.memref_slice %arg5[%mul3A_2] : memref<65544xi32, #tpu.memory_space<hbm>> -> memref<2056xi32, #tpu.memory_space<hbm>>
      tpu.wait_dma2 semaphore(%run_scoped3A : memref<!tpu.dma_semaphore, #tpu.memory_space<semaphore_mem>>) src(%dma_wait3A_117 : memref<2056xi32, #tpu.memory_space<hbm>>) dst(%dma_wait3A_116 : memref<2056xi32, #tpu.memory_space<vmem>>)
      tpu.yield
    }) : () -> ()
    %get3A = arith.constant 0 : index
    %get3A_3 = tpu.vector_load %arg8[%get3A] {strides = array<i32>} : memref<2064xi32, #tpu.memory_space<vmem>>, vector<16xi32>,
    %slice3A = vector.extract_strided_slice %get3A_3 {offsets = [0], sizes = [1], strides = [1]} : vector<16xi32> to vector<1xi32>
    %squeeze3A = vector.extract %slice3A[0] : i32 from vector<1xi32>
    %get3A_4 = arith.constant 2048 : index
    %get3A_5 = tpu.vector_load %arg8[%get3A_4] {strides = array<i32>} : memref<2064xi32, #tpu.memory_space<vmem>>, vector<16xi32>,
    %slice3A_6 = vector.extract_strided_slice %get3A_5 {offsets = [0], sizes = [1], strides = [1]} : vector<16xi32> to vector<1xi32>
    %squeeze3A_7 = vector.extract %slice3A_6[0] : i32 from vector<1xi32>
    %broadcast_in_dim3A = arith.constant 0.000000e+00 : f32
    %broadcast_in_dim3A_8 = vector.broadcast %broadcast_in_dim3A : f32 to vector<16xf32>
    %scan3A = arith.constant 0 : i32
    %scan3A_9 = arith.constant 129 : i32
    %scan3A_10 = arith.addi %scan3A, %scan3A_9 : i32
    %scan3A_11 = arith.constant 1 : i32
    scf.for %scan3A_108 = %scan3A to %scan3A_10 step %scan3A_11  : i32 {
      %mul3A_109 = arith.constant 16 : i32
      %mul3A_110 = arith.muli %scan3A_108, %mul3A_109 : i32
      %add3A_111 = arith.constant 0 : i32
      %add3A_112 = arith.addi %add3A_111, %mul3A_110 : i32
      %swap3A = arith.index_cast %add3A_112 : i32 to index
      %swap3A_113 = tpu.vector_load %arg16[%swap3A] {strides = array<i32>} : memref<2064xf32, #tpu.memory_space<vmem>>, vector<16xf32>,
      tpu.vector_store %arg16[%swap3A], %broadcast_in_dim3A_8 {strides = array<i32>} : memref<2064xf32, #tpu.memory_space<vmem>>, vector<16xf32>,
    }
    %scan3A_12 = arith.constant 129 : i32
    %jit3A = arith.constant 8192 : i32
    %div3A = arith.divsi %squeeze3A, %jit3A : i32
    %sign3A = arith.constant 0 : i32
    %sign3A_13 = arith.cmpi sgt, %squeeze3A, %sign3A : i32
    %sign3A_14 = arith.extui %sign3A_13 : i1 to i32
    %sign3A_15 = arith.constant 0 : i32
    %sign3A_16 = arith.cmpi slt, %squeeze3A, %sign3A_15 : i32
    %sign3A_17 = arith.extui %sign3A_16 : i1 to i32
    %sign3A_18 = arith.subi %sign3A_14, %sign3A_17 : i32
    %sign3A_19 = arith.constant 0 : i32
    %sign3A_20 = arith.cmpi sgt, %jit3A, %sign3A_19 : i32
    %sign3A_21 = arith.extui %sign3A_20 : i1 to i32
    %sign3A_22 = arith.constant 0 : i32
    %sign3A_23 = arith.cmpi slt, %jit3A, %sign3A_22 : i32
    %sign3A_24 = arith.extui %sign3A_23 : i1 to i32
    %sign3A_25 = arith.subi %sign3A_21, %sign3A_24 : i32
    %ne3A = arith.cmpi ne, %sign3A_18, %sign3A_25 : i32
    %rem3A = arith.remsi %squeeze3A, %jit3A : i32
    %ne3A_26 = arith.constant 0 : i32
    %ne3A_27 = arith.cmpi ne, %rem3A, %ne3A_26 : i32
    %and3A = arith.andi %ne3A, %ne3A_27 : i1
    %sub3A = arith.constant 1 : i32
    %sub3A_28 = arith.subi %div3A, %sub3A : i32
    %select_n3A = arith.select %and3A, %sub3A_28, %div3A : i32
    %add3A_29 = arith.constant 8192 : i32
    %add3A_30 = arith.addi %squeeze3A_7, %add3A_29 : i32
    %sub3A_31 = arith.constant 1 : i32
    %sub3A_32 = arith.subi %add3A_30, %sub3A_31 : i32
    %jit3A_33 = arith.constant 8192 : i32
    %div3A_34 = arith.divsi %sub3A_32, %jit3A_33 : i32
    %sign3A_35 = arith.constant 0 : i32
    %sign3A_36 = arith.cmpi sgt, %sub3A_32, %sign3A_35 : i32
    %sign3A_37 = arith.extui %sign3A_36 : i1 to i32
    %sign3A_38 = arith.constant 0 : i32
    %sign3A_39 = arith.cmpi slt, %sub3A_32, %sign3A_38 : i32
    %sign3A_40 = arith.extui %sign3A_39 : i1 to i32
    %sign3A_41 = arith.subi %sign3A_37, %sign3A_40 : i32
    %sign3A_42 = arith.constant 0 : i32
    %sign3A_43 = arith.cmpi sgt, %jit3A_33, %sign3A_42 : i32
    %sign3A_44 = arith.extui %sign3A_43 : i1 to i32
    %sign3A_45 = arith.constant 0 : i32
    %sign3A_46 = arith.cmpi slt, %jit3A_33, %sign3A_45 : i32
    %sign3A_47 = arith.extui %sign3A_46 : i1 to i32
    %sign3A_48 = arith.subi %sign3A_44, %sign3A_47 : i32
    %ne3A_49 = arith.cmpi ne, %sign3A_41, %sign3A_48 : i32
    %rem3A_50 = arith.remsi %sub3A_32, %jit3A_33 : i32
    %ne3A_51 = arith.constant 0 : i32
    %ne3A_52 = arith.cmpi ne, %rem3A_50, %ne3A_51 : i32
    %and3A_53 = arith.andi %ne3A_49, %ne3A_52 : i1
    %sub3A_54 = arith.constant 1 : i32
    %sub3A_55 = arith.subi %div3A_34, %sub3A_54 : i32
    %select_n3A_56 = arith.select %and3A_53, %sub3A_55, %div3A_34 : i32
    %lt3A = arith.cmpi slt, %select_n3A, %select_n3A_56 : i32
    %convert_element_type3A = arith.extui %lt3A : i1 to i32
    %cond3A = arith.constant 0 : i32
    %cond3A_57 = arith.cmpi ne, %convert_element_type3A, %cond3A : i32
    scf.if %cond3A_57 {
      %mul3A_108 = arith.constant 8192 : i32
      %mul3A_109 = arith.muli %select_n3A, %mul3A_108 : i32
      %dma_start3A = tpu.memref_slice %arg2[%mul3A_109] : memref<4194304xf32, #tpu.memory_space<hbm>> -> memref<8192xf32, #tpu.memory_space<hbm>>
      %dma_start3A_110 = tpu.memref_slice %arg2[%mul3A_109] : memref<4194304xf32, #tpu.memory_space<hbm>> -> memref<8192xf32, #tpu.memory_space<hbm>>
      tpu.enqueue_dma source(%dma_start3A_110 : memref<8192xf32, #tpu.memory_space<hbm>>) target(%arg9 : memref<8192xf32, #tpu.memory_space<vmem>>) target_semaphore(%arg18 : memref<!tpu.dma_semaphore, #tpu.memory_space<semaphore_mem>>)
      %dma_start3A_111 = tpu.memref_slice %arg4[%mul3A_109] : memref<4194304xi32, #tpu.memory_space<hbm>> -> memref<8192xi32, #tpu.memory_space<hbm>>
      %dma_start3A_112 = tpu.memref_slice %arg4[%mul3A_109] : memref<4194304xi32, #tpu.memory_space<hbm>> -> memref<8192xi32, #tpu.memory_space<hbm>>
      tpu.enqueue_dma source(%dma_start3A_112 : memref<8192xi32, #tpu.memory_space<hbm>>) target(%arg10 : memref<8192xi32, #tpu.memory_space<vmem>>) target_semaphore(%arg18 : memref<!tpu.dma_semaphore, #tpu.memory_space<semaphore_mem>>)
    } else {
    }
    %add3A_58 = arith.constant 1 : i32
    %add3A_59 = arith.addi %select_n3A, %add3A_58 : i32
    %lt3A_60 = arith.cmpi slt, %add3A_59, %select_n3A_56 : i32
    %convert_element_type3A_61 = arith.extui %lt3A_60 : i1 to i32
    %cond3A_62 = arith.constant 0 : i32
    %cond3A_63 = arith.cmpi ne, %convert_element_type3A_61, %cond3A_62 : i32
    scf.if %cond3A_63 {
      %mul3A_108 = arith.constant 8192 : i32
      %mul3A_109 = arith.muli %add3A_59, %mul3A_108 : i32
      %dma_start3A = tpu.memref_slice %arg2[%mul3A_109] : memref<4194304xf32, #tpu.memory_space<hbm>> -> memref<8192xf32, #tpu.memory_space<hbm>>
      %dma_start3A_110 = tpu.memref_slice %arg2[%mul3A_109] : memref<4194304xf32, #tpu.memory_space<hbm>> -> memref<8192xf32, #tpu.memory_space<hbm>>
      tpu.enqueue_dma source(%dma_start3A_110 : memref<8192xf32, #tpu.memory_space<hbm>>) target(%arg11 : memref<8192xf32, #tpu.memory_space<vmem>>) target_semaphore(%arg19 : memref<!tpu.dma_semaphore, #tpu.memory_space<semaphore_mem>>)
      %dma_start3A_111 = tpu.memref_slice %arg4[%mul3A_109] : memref<4194304xi32, #tpu.memory_space<hbm>> -> memref<8192xi32, #tpu.memory_space<hbm>>
      %dma_start3A_112 = tpu.memref_slice %arg4[%mul3A_109] : memref<4194304xi32, #tpu.memory_space<hbm>> -> memref<8192xi32, #tpu.memory_space<hbm>>
      tpu.enqueue_dma source(%dma_start3A_112 : memref<8192xi32, #tpu.memory_space<hbm>>) target(%arg12 : memref<8192xi32, #tpu.memory_space<vmem>>) target_semaphore(%arg19 : memref<!tpu.dma_semaphore, #tpu.memory_space<semaphore_mem>>)
    } else {
    }
    %sub3A_64 = arith.subi %select_n3A_56, %select_n3A : i32
    %add3A_65 = arith.constant 1 : i32
    %add3A_66 = arith.addi %sub3A_64, %add3A_65 : i32
    %jit3A_67 = arith.constant 2 : i32
    %div3A_68 = arith.divsi %add3A_66, %jit3A_67 : i32
    %sign3A_69 = arith.constant 0 : i32
    %sign3A_70 = arith.cmpi sgt, %add3A_66, %sign3A_69 : i32
    %sign3A_71 = arith.extui %sign3A_70 : i1 to i32
    %sign3A_72 = arith.constant 0 : i32
    %sign3A_73 = arith.cmpi slt, %add3A_66, %sign3A_72 : i32
    %sign3A_74 = arith.extui %sign3A_73 : i1 to i32
    %sign3A_75 = arith.subi %sign3A_71, %sign3A_74 : i32
    %sign3A_76 = arith.constant 0 : i32
    %sign3A_77 = arith.cmpi sgt, %jit3A_67, %sign3A_76 : i32
    %sign3A_78 = arith.extui %sign3A_77 : i1 to i32
    %sign3A_79 = arith.constant 0 : i32
    %sign3A_80 = arith.cmpi slt, %jit3A_67, %sign3A_79 : i32
    %sign3A_81 = arith.extui %sign3A_80 : i1 to i32
    %sign3A_82 = arith.subi %sign3A_78, %sign3A_81 : i32
    %ne3A_83 = arith.cmpi ne, %sign3A_75, %sign3A_82 : i32
    %rem3A_84 = arith.remsi %add3A_66, %jit3A_67 : i32
    %ne3A_85 = arith.constant 0 : i32
    %ne3A_86 = arith.cmpi ne, %rem3A_84, %ne3A_85 : i32
    %and3A_87 = arith.andi %ne3A_83, %ne3A_86 : i1
    %sub3A_88 = arith.constant 1 : i32
    %sub3A_89 = arith.subi %div3A_68, %sub3A_88 : i32
    %select_n3A_90 = arith.select %and3A_87, %sub3A_89, %div3A_68 : i32
    %while3A = arith.constant 0 : i32
    %while3A_91 = arith.constant 0 : i32
    %while3A_92 = arith.constant 0.000000e+00 : f32
    %while3A_93 = arith.subi %select_n3A_90, %while3A : i32
    %while3A_94 = arith.addi %while3A, %while3A_93 : i32
    %while3A_95 = arith.constant 1 : i32
    %while3A_96 = arith.divsi %while3A_93, %while3A_95 : i32
    %while3A_97 = arith.muli %while3A_96, %while3A_95 : i32
    %while3A_98 = arith.addi %while3A, %while3A_97 : i32
    %while3A_99 = arith.constant 1 : i32
    %while3A_100:2 = scf.for %while3A_108 = %while3A to %while3A_98 step %while3A_99 iter_args(%while3A_109 = %while3A_91, %while3A_110 = %while3A_92) -> (i32, f32)  : i32 {
      %mul3A_111 = arith.constant 2 : i32
      %mul3A_112 = arith.muli %mul3A_111, %while3A_108 : i32
      %add3A_113 = arith.addi %select_n3A, %mul3A_112 : i32
      %add3A_114 = arith.constant 1 : i32
      %add3A_115 = arith.addi %add3A_113, %add3A_114 : i32
      %lt3A_116 = arith.cmpi slt, %add3A_113, %select_n3A_56 : i32
      %convert_element_type3A_117 = arith.extui %lt3A_116 : i1 to i32
      %cond3A_118 = arith.constant 0 : i32
      %cond3A_119 = arith.cmpi ne, %convert_element_type3A_117, %cond3A_118 : i32
      scf.if %cond3A_119 {
        %dma_wait3A = arith.constant 0 : i32
        %dma_wait3A_146 = tpu.memref_slice %arg2[%dma_wait3A] : memref<4194304xf32, #tpu.memory_space<hbm>> -> memref<8192xf32, #tpu.memory_space<hbm>>
        %dma_wait3A_147 = arith.constant 0 : i32
        %dma_wait3A_148 = tpu.memref_slice %arg2[%dma_wait3A_147] : memref<4194304xf32, #tpu.memory_space<hbm>> -> memref<8192xf32, #tpu.memory_space<hbm>>
        tpu.wait_dma2 semaphore(%arg18 : memref<!tpu.dma_semaphore, #tpu.memory_space<semaphore_mem>>) src(%dma_wait3A_148 : memref<8192xf32, #tpu.memory_space<hbm>>) dst(%arg9 : memref<8192xf32, #tpu.memory_space<vmem>>)
        %dma_wait3A_149 = arith.constant 0 : i32
        %dma_wait3A_150 = tpu.memref_slice %arg4[%dma_wait3A_149] : memref<4194304xi32, #tpu.memory_space<hbm>> -> memref<8192xi32, #tpu.memory_space<hbm>>
        %dma_wait3A_151 = arith.constant 0 : i32
        %dma_wait3A_152 = tpu.memref_slice %arg4[%dma_wait3A_151] : memref<4194304xi32, #tpu.memory_space<hbm>> -> memref<8192xi32, #tpu.memory_space<hbm>>
        tpu.wait_dma2 semaphore(%arg18 : memref<!tpu.dma_semaphore, #tpu.memory_space<semaphore_mem>>) src(%dma_wait3A_152 : memref<8192xi32, #tpu.memory_space<hbm>>) dst(%arg10 : memref<8192xi32, #tpu.memory_space<vmem>>)
      } else {
      }
      %lt3A_120 = arith.cmpi slt, %add3A_113, %select_n3A_56 : i32
      %convert_element_type3A_121 = arith.extui %lt3A_120 : i1 to i32
      %cond3A_122 = arith.constant 0 : i32
      %cond3A_123 = arith.cmpi ne, %convert_element_type3A_121, %cond3A_122 : i32
      %cond3A_124:2 = scf.if %cond3A_123 -> (i32, f32) {
        %mul3A_146 = arith.constant 8192 : i32
        %mul3A_147 = arith.muli %add3A_113, %mul3A_146 : i32
        %parallel_loop3A = arith.constant 0 : i32
        %parallel_loop3A_148 = arith.constant 512 : i32
        %parallel_loop3A_149 = arith.constant 1 : i32
        scf.for %parallel_loop3A_168 = %parallel_loop3A to %parallel_loop3A_148 step %parallel_loop3A_149  : i32 {
          %parallel_loop3A_169 = arith.constant 16 : i32
          %parallel_loop3A_170 = arith.muli %parallel_loop3A_168, %parallel_loop3A_169 : i32
          %parallel_loop3A_171 = arith.index_cast %parallel_loop3A_170 : i32 to index
          %parallel_loop3A_172 = tpu.vector_load %arg10[%parallel_loop3A_171] {strides = array<i32>} : memref<8192xi32, #tpu.memory_space<vmem>>, vector<16xi32>,
          %parallel_loop3A_173 = arith.index_cast %parallel_loop3A_170 : i32 to index
          %parallel_loop3A_174 = tpu.vector_load %arg9[%parallel_loop3A_173] {strides = array<i32>} : memref<8192xf32, #tpu.memory_space<vmem>>, vector<16xf32>,
          %parallel_loop3A_175 = tpu.vector_load_idx %arg7[%parallel_loop3A_172] : memref<65536xf32, #tpu.memory_space<vmem>>[vector<16xi32>], vector<16xf32>,
          %parallel_loop3A_176 = arith.mulf %parallel_loop3A_174, %parallel_loop3A_175 : vector<16xf32>
          %parallel_loop3A_177 = arith.constant true
          %parallel_loop3A_178 = vector.broadcast %parallel_loop3A_177 : i1 to vector<16xi1>
          %parallel_loop3A_179 = tpu.scan <sum>, %parallel_loop3A_176 masked %parallel_loop3A_178 : vector<16xf32>, vector<16xi1> -> vector<16xf32>
          %parallel_loop3A_180 = arith.index_cast %parallel_loop3A_170 : i32 to index
          %parallel_loop3A_181 = tpu.vector_load %arg13[%parallel_loop3A_180] {strides = array<i32>} : memref<8192xf32, #tpu.memory_space<vmem>>, vector<16xf32>,
          tpu.vector_store %arg13[%parallel_loop3A_180], %parallel_loop3A_179 {strides = array<i32>} : memref<8192xf32, #tpu.memory_space<vmem>>, vector<16xf32>,
        } {sc.loop_unroll_factor = 16 : i64, sc.parallel_access}
        %parallel_loop3A_150 = arith.constant 0 : i32
        %parallel_loop3A_151 = arith.constant 32 : i32
        %parallel_loop3A_152 = arith.constant 1 : i32
        scf.for %parallel_loop3A_168 = %parallel_loop3A_150 to %parallel_loop3A_151 step %parallel_loop3A_152  : i32 {
          %parallel_loop3A_169 = arith.constant 16 : i32
          %parallel_loop3A_170 = vector.broadcast %parallel_loop3A_169 : i32 to vector<16xi32>
          %parallel_loop3A_171 = arith.muli %iota3A, %parallel_loop3A_170 : vector<16xi32>
          %parallel_loop3A_172 = arith.constant 256 : i32
          %parallel_loop3A_173 = arith.muli %parallel_loop3A_168, %parallel_loop3A_172 : i32
          %parallel_loop3A_174 = arith.constant 15 : i32
          %parallel_loop3A_175 = arith.addi %parallel_loop3A_173, %parallel_loop3A_174 : i32
          %parallel_loop3A_176 = vector.broadcast %parallel_loop3A_175 : i32 to vector<16xi32>
          %parallel_loop3A_177 = arith.addi %parallel_loop3A_171, %parallel_loop3A_176 : vector<16xi32>
          %parallel_loop3A_178 = tpu.vector_load_idx %arg13[%parallel_loop3A_177] : memref<8192xf32, #tpu.memory_space<vmem>>[vector<16xi32>], vector<16xf32>,
          %parallel_loop3A_179 = arith.constant true
          %parallel_loop3A_180 = vector.broadcast %parallel_loop3A_179 : i1 to vector<16xi1>
          %parallel_loop3A_181 = tpu.scan <sum>, %parallel_loop3A_178 masked %parallel_loop3A_180 : vector<16xf32>, vector<16xi1> -> vector<16xf32>
          %parallel_loop3A_182 = arith.subf %parallel_loop3A_181, %parallel_loop3A_178 : vector<16xf32>
          %parallel_loop3A_183 = arith.constant 16 : i32
          %parallel_loop3A_184 = arith.muli %parallel_loop3A_168, %parallel_loop3A_183 : i32
          %parallel_loop3A_185 = arith.index_cast %parallel_loop3A_184 : i32 to index
          %parallel_loop3A_186 = tpu.vector_load %arg14[%parallel_loop3A_185] {strides = array<i32>} : memref<512xf32, #tpu.memory_space<vmem>>, vector<16xf32>,
          tpu.vector_store %arg14[%parallel_loop3A_185], %parallel_loop3A_182 {strides = array<i32>} : memref<512xf32, #tpu.memory_space<vmem>>, vector<16xf32>,
        } {sc.loop_unroll_factor = 2 : i64, sc.parallel_access}
        %scan3A_153 = arith.constant 0 : i32
        %scan3A_154 = arith.constant 2 : i32
        %scan3A_155 = arith.addi %scan3A_153, %scan3A_154 : i32
        %scan3A_156 = arith.constant 1 : i32
        %scan3A_157 = scf.for %scan3A_168 = %scan3A_153 to %scan3A_155 step %scan3A_156 iter_args(%scan3A_169 = %while3A_110) -> (f32)  : i32 {
          %mul3A_170 = arith.constant 16 : i32
          %mul3A_171 = vector.broadcast %mul3A_170 : i32 to vector<16xi32>
          %mul3A_172 = arith.muli %iota3A, %mul3A_171 : vector<16xi32>
          %mul3A_173 = arith.constant 256 : i32
          %mul3A_174 = arith.muli %scan3A_168, %mul3A_173 : i32
          %add3A_175 = arith.constant 15 : i32
          %add3A_176 = arith.addi %mul3A_174, %add3A_175 : i32
          %add3A_177 = vector.broadcast %add3A_176 : i32 to vector<16xi32>
          %add3A_178 = arith.addi %mul3A_172, %add3A_177 : vector<16xi32>
          %gather3A = tpu.vector_load_idx %arg14[%add3A_178] : memref<512xf32, #tpu.memory_space<vmem>>[vector<16xi32>], vector<16xf32>,
          %mul3A_179 = arith.constant 256 : i32
          %mul3A_180 = vector.broadcast %mul3A_179 : i32 to vector<16xi32>
          %mul3A_181 = arith.muli %iota3A, %mul3A_180 : vector<16xi32>
          %mul3A_182 = arith.constant 4096 : i32
          %mul3A_183 = arith.muli %scan3A_168, %mul3A_182 : i32
          %add3A_184 = arith.constant 255 : i32
          %add3A_185 = arith.addi %mul3A_183, %add3A_184 : i32
          %add3A_186 = vector.broadcast %add3A_185 : i32 to vector<16xi32>
          %add3A_187 = arith.addi %mul3A_181, %add3A_186 : vector<16xi32>
          %gather3A_188 = tpu.vector_load_idx %arg13[%add3A_187] : memref<8192xf32, #tpu.memory_space<vmem>>[vector<16xi32>], vector<16xf32>,
          %add3A_189 = arith.addf %gather3A, %gather3A_188 : vector<16xf32>
          %broadcast_in_dim3A_190 = arith.constant true
          %broadcast_in_dim3A_191 = vector.broadcast %broadcast_in_dim3A_190 : i1 to vector<16xi1>
          %masked_cumsum3A = tpu.scan <sum>, %add3A_189 masked %broadcast_in_dim3A_191 : vector<16xf32>, vector<16xi1> -> vector<16xf32>
          %add3A_192 = vector.broadcast %scan3A_169 : f32 to vector<16xf32>
          %add3A_193 = arith.addf %masked_cumsum3A, %add3A_192 : vector<16xf32>
          %sub3A_194 = arith.subf %add3A_193, %add3A_189 : vector<16xf32>
          %mul3A_195 = arith.constant 16 : i32
          %mul3A_196 = arith.muli %scan3A_168, %mul3A_195 : i32
          %swap3A = arith.index_cast %mul3A_196 : i32 to index
          %swap3A_197 = tpu.vector_load %arg15[%swap3A] {strides = array<i32>} : memref<32xf32, #tpu.memory_space<vmem>>, vector<16xf32>,
          tpu.vector_store %arg15[%swap3A], %sub3A_194 {strides = array<i32>} : memref<32xf32, #tpu.memory_space<vmem>>, vector<16xf32>,
          %slice3A_198 = vector.extract_strided_slice %add3A_193 {offsets = [15], sizes = [1], strides = [1]} : vector<16xf32> to vector<1xf32>
          %squeeze3A_199 = vector.extract %slice3A_198[0] : f32 from vector<1xf32>
          scf.yield %squeeze3A_199 : f32
        }
        %scan3A_158 = arith.constant 2 : i32
        %eq3A = arith.cmpi eq, %add3A_113, %select_n3A : i32
        %convert_element_type3A_159 = arith.extui %eq3A : i1 to i32
        %cond3A_160 = arith.constant 0 : i32
        %cond3A_161 = arith.cmpi ne, %convert_element_type3A_159, %cond3A_160 : i32
        scf.if %cond3A_161 {
          %mul3A_168 = arith.constant 0 : i32
          %mul3A_169 = vector.broadcast %mul3A_168 : i32 to vector<16xi32>
          %mul3A_170 = arith.muli %iota3A, %mul3A_169 : vector<16xi32>
          %sub3A_171 = arith.constant 1 : i32
          %sub3A_172 = arith.subi %squeeze3A, %sub3A_171 : i32
          %sub3A_173 = arith.subi %sub3A_172, %mul3A_147 : i32
          %jit3A_174 = arith.constant 0 : i32
          %jit3A_175 = arith.constant 8191 : i32
          %max3A_176 = arith.maxsi %jit3A_174, %sub3A_173 : i32
          %min3A = arith.minsi %jit3A_175, %max3A_176 : i32
          %add3A_177 = vector.broadcast %min3A : i32 to vector<16xi32>
          %add3A_178 = arith.addi %mul3A_170, %add3A_177 : vector<16xi32>
          %gather3A = tpu.vector_load_idx %arg13[%add3A_178] : memref<8192xf32, #tpu.memory_space<vmem>>[vector<16xi32>], vector<16xf32>,
          %shift_right_logical3A = arith.constant 4 : i32
          %shift_right_logical3A_179 = vector.broadcast %shift_right_logical3A : i32 to vector<16xi32>
          %shift_right_logical3A_180 = arith.shrui %add3A_178, %shift_right_logical3A_179 : vector<16xi32>
          %gather3A_181 = tpu.vector_load_idx %arg14[%shift_right_logical3A_180] : memref<512xf32, #tpu.memory_space<vmem>>[vector<16xi32>], vector<16xf32>,
          %add3A_182 = arith.addf %gather3A, %gather3A_181 : vector<16xf32>
          %shift_right_logical3A_183 = arith.constant 8 : i32
          %shift_right_logical3A_184 = vector.broadcast %shift_right_logical3A_183 : i32 to vector<16xi32>
          %shift_right_logical3A_185 = arith.shrui %add3A_178, %shift_right_logical3A_184 : vector<16xi32>
          %gather3A_186 = tpu.vector_load_idx %arg15[%shift_right_logical3A_185] : memref<32xf32, #tpu.memory_space<vmem>>[vector<16xi32>], vector<16xf32>,
          %add3A_187 = arith.addf %add3A_182, %gather3A_186 : vector<16xf32>
          %eq3A_188 = arith.constant 15 : i32
          %eq3A_189 = vector.broadcast %eq3A_188 : i32 to vector<16xi32>
          %eq3A_190 = arith.cmpi eq, %iota3A, %eq3A_189 : vector<16xi32>
          %gt3A = arith.cmpi sgt, %squeeze3A, %mul3A_147 : i32
          %and3A_191 = vector.broadcast %gt3A : i1 to vector<16xi1>
          %and3A_192 = arith.andi %eq3A_190, %and3A_191 : vector<16xi1>
          %jit3A_193 = arith.constant 0.000000e+00 : f32
          %broadcast_in_dim3A_194 = vector.broadcast %jit3A_193 : f32 to vector<16xf32>
          %select_n3A_195 = arith.select %and3A_192, %add3A_187, %broadcast_in_dim3A_194 : vector<16xi1>, vector<16xf32>
          %swap3A = arith.constant 0 : index
          %swap3A_196 = tpu.vector_load %arg16[%swap3A] {strides = array<i32>} : memref<2064xf32, #tpu.memory_space<vmem>>, vector<16xf32>,
          tpu.vector_store %arg16[%swap3A], %select_n3A_195 {strides = array<i32>} : memref<2064xf32, #tpu.memory_space<vmem>>, vector<16xf32>,
        } else {
        }
        %add3A_162 = arith.constant 8192 : i32
        %add3A_163 = arith.addi %mul3A_147, %add3A_162 : i32
        %while3A_164 = arith.constant false
        %while3A_165:2 = scf.while (%while3A_168 = %while3A_109, %while3A_169 = %while3A_164) : (i32, i1) -> (i32, i1) {
          %not3A = arith.constant true
          %not3A_170 = arith.xori %while3A_169, %not3A : i1
          %lt3A_171 = arith.constant 128 : i32
          %lt3A_172 = arith.cmpi slt, %while3A_168, %lt3A_171 : i32
          %and3A_173 = arith.andi %not3A_170, %lt3A_172 : i1
          scf.condition(%and3A_173) %while3A_168, %while3A_169 : i32, i1
        } do {
        ^bb0(%while3A_168: i32, %while3A_169: i1):
          %mul3A_170 = arith.constant 16 : i32
          %mul3A_171 = arith.muli %while3A_168, %mul3A_170 : i32
          %get3A_172 = arith.index_cast %mul3A_171 : i32 to index
          %get3A_173 = tpu.vector_load %arg8[%get3A_172] {strides = array<i32>} : memref<2064xi32, #tpu.memory_space<vmem>>, vector<16xi32>,
          %slice3A_174 = vector.extract_strided_slice %get3A_173 {offsets = [1], sizes = [1], strides = [1]} : vector<16xi32> to vector<1xi32>
          %squeeze3A_175 = vector.extract %slice3A_174[0] : i32 from vector<1xi32>
          %le3A = arith.cmpi sle, %squeeze3A_175, %add3A_163 : i32
          %convert_element_type3A_176 = arith.extui %le3A : i1 to i32
          %cond3A_177 = arith.constant 0 : i32
          %cond3A_178 = arith.cmpi ne, %convert_element_type3A_176, %cond3A_177 : i32
          scf.if %cond3A_178 {
            %mul3A_183 = arith.constant 16 : i32
            %mul3A_184 = arith.muli %while3A_168, %mul3A_183 : i32
            %add3A_185 = arith.constant 1 : i32
            %add3A_186 = arith.addi %add3A_185, %mul3A_184 : i32
            %add3A_187 = vector.broadcast %add3A_186 : i32 to vector<16xi32>
            %add3A_188 = arith.addi %iota3A, %add3A_187 : vector<16xi32>
            %gather3A = tpu.vector_load_idx %arg8[%add3A_188] : memref<2064xi32, #tpu.memory_space<vmem>>[vector<16xi32>], vector<16xi32>,
            %gt3A = vector.broadcast %mul3A_147 : i32 to vector<16xi32>
            %gt3A_189 = arith.cmpi sgt, %gather3A, %gt3A : vector<16xi32>
            %le3A_190 = vector.broadcast %add3A_163 : i32 to vector<16xi32>
            %le3A_191 = arith.cmpi sle, %gather3A, %le3A_190 : vector<16xi32>
            %and3A_192 = arith.andi %gt3A_189, %le3A_191 : vector<16xi1>
            %sub3A_193 = arith.constant 1 : i32
            %sub3A_194 = vector.broadcast %sub3A_193 : i32 to vector<16xi32>
            %sub3A_195 = arith.subi %gather3A, %sub3A_194 : vector<16xi32>
            %sub3A_196 = vector.broadcast %mul3A_147 : i32 to vector<16xi32>
            %sub3A_197 = arith.subi %sub3A_195, %sub3A_196 : vector<16xi32>
            %jit3A_198 = arith.constant 0 : i32
            %jit3A_199 = arith.constant 8191 : i32
            %max3A_200 = vector.broadcast %jit3A_198 : i32 to vector<16xi32>
            %max3A_201 = arith.maxsi %max3A_200, %sub3A_197 : vector<16xi32>
            %min3A = vector.broadcast %jit3A_199 : i32 to vector<16xi32>
            %min3A_202 = arith.minsi %min3A, %max3A_201 : vector<16xi32>
            %gather3A_203 = tpu.vector_load_idx %arg13[%min3A_202] : memref<8192xf32, #tpu.memory_space<vmem>>[vector<16xi32>], vector<16xf32>,
            %shift_right_logical3A = arith.constant 4 : i32
            %shift_right_logical3A_204 = vector.broadcast %shift_right_logical3A : i32 to vector<16xi32>
            %shift_right_logical3A_205 = arith.shrui %min3A_202, %shift_right_logical3A_204 : vector<16xi32>
            %gather3A_206 = tpu.vector_load_idx %arg14[%shift_right_logical3A_205] : memref<512xf32, #tpu.memory_space<vmem>>[vector<16xi32>], vector<16xf32>,
            %add3A_207 = arith.addf %gather3A_203, %gather3A_206 : vector<16xf32>
            %shift_right_logical3A_208 = arith.constant 8 : i32
            %shift_right_logical3A_209 = vector.broadcast %shift_right_logical3A_208 : i32 to vector<16xi32>
            %shift_right_logical3A_210 = arith.shrui %min3A_202, %shift_right_logical3A_209 : vector<16xi32>
            %gather3A_211 = tpu.vector_load_idx %arg15[%shift_right_logical3A_210] : memref<32xf32, #tpu.memory_space<vmem>>[vector<16xi32>], vector<16xf32>,
            %add3A_212 = arith.addf %add3A_207, %gather3A_211 : vector<16xf32>
            %mul3A_213 = arith.constant 16 : i32
            %mul3A_214 = arith.muli %while3A_168, %mul3A_213 : i32
            %add3A_215 = arith.constant 16 : i32
            %add3A_216 = arith.addi %add3A_215, %mul3A_214 : i32
            %get3A_217 = arith.index_cast %add3A_216 : i32 to index
            %get3A_218 = tpu.vector_load %arg16[%get3A_217] {strides = array<i32>} : memref<2064xf32, #tpu.memory_space<vmem>>, vector<16xf32>,
            %select_n3A_219 = arith.select %and3A_192, %add3A_212, %get3A_218 : vector<16xi1>, vector<16xf32>
            %mul3A_220 = arith.constant 16 : i32
            %mul3A_221 = arith.muli %while3A_168, %mul3A_220 : i32
            %add3A_222 = arith.constant 16 : i32
            %add3A_223 = arith.addi %add3A_222, %mul3A_221 : i32
            %swap3A = arith.index_cast %add3A_223 : i32 to index
            %swap3A_224 = tpu.vector_load %arg16[%swap3A] {strides = array<i32>} : memref<2064xf32, #tpu.memory_space<vmem>>, vector<16xf32>,
            tpu.vector_store %arg16[%swap3A], %select_n3A_219 {strides = array<i32>} : memref<2064xf32, #tpu.memory_space<vmem>>, vector<16xf32>,
          } else {
          }
          %add3A_179 = arith.constant 1 : i32
          %add3A_180 = arith.addi %while3A_168, %add3A_179 : i32
          %select_n3A_181 = arith.select %le3A, %add3A_180, %while3A_168 : i32
          %not3A = arith.constant true
          %not3A_182 = arith.xori %le3A, %not3A : i1
          scf.yield %select_n3A_181, %not3A_182 : i32, i1
        }
        %sub3A_166 = arith.constant 1 : i32
        %sub3A_167 = arith.subi %while3A_165#0, %sub3A_166 : i32
        %max3A = arith.maxsi %while3A_109, %sub3A_167 : i32
        scf.yield %max3A, %scan3A_157 : i32, f32
      } else {
        scf.yield %while3A_109, %while3A_110 : i32, f32
      }
      %add3A_125 = arith.constant 2 : i32
      %add3A_126 = arith.addi %add3A_113, %add3A_125 : i32
      %lt3A_127 = arith.cmpi slt, %add3A_126, %select_n3A_56 : i32
      %convert_element_type3A_128 = arith.extui %lt3A_127 : i1 to i32
      %cond3A_129 = arith.constant 0 : i32
      %cond3A_130 = arith.cmpi ne, %convert_element_type3A_128, %cond3A_129 : i32
      scf.if %cond3A_130 {
        %mul3A_146 = arith.constant 8192 : i32
        %mul3A_147 = arith.muli %add3A_126, %mul3A_146 : i32
        %dma_start3A = tpu.memref_slice %arg2[%mul3A_147] : memref<4194304xf32, #tpu.memory_space<hbm>> -> memref<8192xf32, #tpu.memory_space<hbm>>
        %dma_start3A_148 = tpu.memref_slice %arg2[%mul3A_147] : memref<4194304xf32, #tpu.memory_space<hbm>> -> memref<8192xf32, #tpu.memory_space<hbm>>
        tpu.enqueue_dma source(%dma_start3A_148 : memref<8192xf32, #tpu.memory_space<hbm>>) target(%arg9 : memref<8192xf32, #tpu.memory_space<vmem>>) target_semaphore(%arg18 : memref<!tpu.dma_semaphore, #tpu.memory_space<semaphore_mem>>)
        %dma_start3A_149 = tpu.memref_slice %arg4[%mul3A_147] : memref<4194304xi32, #tpu.memory_space<hbm>> -> memref<8192xi32, #tpu.memory_space<hbm>>
        %dma_start3A_150 = tpu.memref_slice %arg4[%mul3A_147] : memref<4194304xi32, #tpu.memory_space<hbm>> -> memref<8192xi32, #tpu.memory_space<hbm>>
        tpu.enqueue_dma source(%dma_start3A_150 : memref<8192xi32, #tpu.memory_space<hbm>>) target(%arg10 : memref<8192xi32, #tpu.memory_space<vmem>>) target_semaphore(%arg18 : memref<!tpu.dma_semaphore, #tpu.memory_space<semaphore_mem>>)
      } else {
      }
      %lt3A_131 = arith.cmpi slt, %add3A_115, %select_n3A_56 : i32
      %convert_element_type3A_132 = arith.extui %lt3A_131 : i1 to i32
      %cond3A_133 = arith.constant 0 : i32
      %cond3A_134 = arith.cmpi ne, %convert_element_type3A_132, %cond3A_133 : i32
      scf.if %cond3A_134 {
        %dma_wait3A = arith.constant 0 : i32
        %dma_wait3A_146 = tpu.memref_slice %arg2[%dma_wait3A] : memref<4194304xf32, #tpu.memory_space<hbm>> -> memref<8192xf32, #tpu.memory_space<hbm>>
        %dma_wait3A_147 = arith.constant 0 : i32
        %dma_wait3A_148 = tpu.memref_slice %arg2[%dma_wait3A_147] : memref<4194304xf32, #tpu.memory_space<hbm>> -> memref<8192xf32, #tpu.memory_space<hbm>>
        tpu.wait_dma2 semaphore(%arg19 : memref<!tpu.dma_semaphore, #tpu.memory_space<semaphore_mem>>) src(%dma_wait3A_148 : memref<8192xf32, #tpu.memory_space<hbm>>) dst(%arg11 : memref<8192xf32, #tpu.memory_space<vmem>>)
        %dma_wait3A_149 = arith.constant 0 : i32
        %dma_wait3A_150 = tpu.memref_slice %arg4[%dma_wait3A_149] : memref<4194304xi32, #tpu.memory_space<hbm>> -> memref<8192xi32, #tpu.memory_space<hbm>>
        %dma_wait3A_151 = arith.constant 0 : i32
        %dma_wait3A_152 = tpu.memref_slice %arg4[%dma_wait3A_151] : memref<4194304xi32, #tpu.memory_space<hbm>> -> memref<8192xi32, #tpu.memory_space<hbm>>
        tpu.wait_dma2 semaphore(%arg19 : memref<!tpu.dma_semaphore, #tpu.memory_space<semaphore_mem>>) src(%dma_wait3A_152 : memref<8192xi32, #tpu.memory_space<hbm>>) dst(%arg12 : memref<8192xi32, #tpu.memory_space<vmem>>)
      } else {
      }
      %lt3A_135 = arith.cmpi slt, %add3A_115, %select_n3A_56 : i32
      %convert_element_type3A_136 = arith.extui %lt3A_135 : i1 to i32
      %cond3A_137 = arith.constant 0 : i32
      %cond3A_138 = arith.cmpi ne, %convert_element_type3A_136, %cond3A_137 : i32
      %cond3A_139:2 = scf.if %cond3A_138 -> (i32, f32) {
        %mul3A_146 = arith.constant 8192 : i32
        %mul3A_147 = arith.muli %add3A_115, %mul3A_146 : i32
        %parallel_loop3A = arith.constant 0 : i32
        %parallel_loop3A_148 = arith.constant 512 : i32
        %parallel_loop3A_149 = arith.constant 1 : i32
        scf.for %parallel_loop3A_168 = %parallel_loop3A to %parallel_loop3A_148 step %parallel_loop3A_149  : i32 {
          %parallel_loop3A_169 = arith.constant 16 : i32
          %parallel_loop3A_170 = arith.muli %parallel_loop3A_168, %parallel_loop3A_169 : i32
          %parallel_loop3A_171 = arith.index_cast %parallel_loop3A_170 : i32 to index
          %parallel_loop3A_172 = tpu.vector_load %arg12[%parallel_loop3A_171] {strides = array<i32>} : memref<8192xi32, #tpu.memory_space<vmem>>, vector<16xi32>,
          %parallel_loop3A_173 = arith.index_cast %parallel_loop3A_170 : i32 to index
          %parallel_loop3A_174 = tpu.vector_load %arg11[%parallel_loop3A_173] {strides = array<i32>} : memref<8192xf32, #tpu.memory_space<vmem>>, vector<16xf32>,
          %parallel_loop3A_175 = tpu.vector_load_idx %arg7[%parallel_loop3A_172] : memref<65536xf32, #tpu.memory_space<vmem>>[vector<16xi32>], vector<16xf32>,
          %parallel_loop3A_176 = arith.mulf %parallel_loop3A_174, %parallel_loop3A_175 : vector<16xf32>
          %parallel_loop3A_177 = arith.constant true
          %parallel_loop3A_178 = vector.broadcast %parallel_loop3A_177 : i1 to vector<16xi1>
          %parallel_loop3A_179 = tpu.scan <sum>, %parallel_loop3A_176 masked %parallel_loop3A_178 : vector<16xf32>, vector<16xi1> -> vector<16xf32>
          %parallel_loop3A_180 = arith.index_cast %parallel_loop3A_170 : i32 to index
          %parallel_loop3A_181 = tpu.vector_load %arg13[%parallel_loop3A_180] {strides = array<i32>} : memref<8192xf32, #tpu.memory_space<vmem>>, vector<16xf32>,
          tpu.vector_store %arg13[%parallel_loop3A_180], %parallel_loop3A_179 {strides = array<i32>} : memref<8192xf32, #tpu.memory_space<vmem>>, vector<16xf32>,
        } {sc.loop_unroll_factor = 16 : i64, sc.parallel_access}
        %parallel_loop3A_150 = arith.constant 0 : i32
        %parallel_loop3A_151 = arith.constant 32 : i32
        %parallel_loop3A_152 = arith.constant 1 : i32
        scf.for %parallel_loop3A_168 = %parallel_loop3A_150 to %parallel_loop3A_151 step %parallel_loop3A_152  : i32 {
          %parallel_loop3A_169 = arith.constant 16 : i32
          %parallel_loop3A_170 = vector.broadcast %parallel_loop3A_169 : i32 to vector<16xi32>
          %parallel_loop3A_171 = arith.muli %iota3A, %parallel_loop3A_170 : vector<16xi32>
          %parallel_loop3A_172 = arith.constant 256 : i32
          %parallel_loop3A_173 = arith.muli %parallel_loop3A_168, %parallel_loop3A_172 : i32
          %parallel_loop3A_174 = arith.constant 15 : i32
          %parallel_loop3A_175 = arith.addi %parallel_loop3A_173, %parallel_loop3A_174 : i32
          %parallel_loop3A_176 = vector.broadcast %parallel_loop3A_175 : i32 to vector<16xi32>
          %parallel_loop3A_177 = arith.addi %parallel_loop3A_171, %parallel_loop3A_176 : vector<16xi32>
          %parallel_loop3A_178 = tpu.vector_load_idx %arg13[%parallel_loop3A_177] : memref<8192xf32, #tpu.memory_space<vmem>>[vector<16xi32>], vector<16xf32>,
          %parallel_loop3A_179 = arith.constant true
          %parallel_loop3A_180 = vector.broadcast %parallel_loop3A_179 : i1 to vector<16xi1>
          %parallel_loop3A_181 = tpu.scan <sum>, %parallel_loop3A_178 masked %parallel_loop3A_180 : vector<16xf32>, vector<16xi1> -> vector<16xf32>
          %parallel_loop3A_182 = arith.subf %parallel_loop3A_181, %parallel_loop3A_178 : vector<16xf32>
          %parallel_loop3A_183 = arith.constant 16 : i32
          %parallel_loop3A_184 = arith.muli %parallel_loop3A_168, %parallel_loop3A_183 : i32
          %parallel_loop3A_185 = arith.index_cast %parallel_loop3A_184 : i32 to index
          %parallel_loop3A_186 = tpu.vector_load %arg14[%parallel_loop3A_185] {strides = array<i32>} : memref<512xf32, #tpu.memory_space<vmem>>, vector<16xf32>,
          tpu.vector_store %arg14[%parallel_loop3A_185], %parallel_loop3A_182 {strides = array<i32>} : memref<512xf32, #tpu.memory_space<vmem>>, vector<16xf32>,
        } {sc.loop_unroll_factor = 2 : i64, sc.parallel_access}
        %scan3A_153 = arith.constant 0 : i32
        %scan3A_154 = arith.constant 2 : i32
        %scan3A_155 = arith.addi %scan3A_153, %scan3A_154 : i32
        %scan3A_156 = arith.constant 1 : i32
        %scan3A_157 = scf.for %scan3A_168 = %scan3A_153 to %scan3A_155 step %scan3A_156 iter_args(%scan3A_169 = %cond3A_124#1) -> (f32)  : i32 {
          %mul3A_170 = arith.constant 16 : i32
          %mul3A_171 = vector.broadcast %mul3A_170 : i32 to vector<16xi32>
          %mul3A_172 = arith.muli %iota3A, %mul3A_171 : vector<16xi32>
          %mul3A_173 = arith.constant 256 : i32
          %mul3A_174 = arith.muli %scan3A_168, %mul3A_173 : i32
          %add3A_175 = arith.constant 15 : i32
          %add3A_176 = arith.addi %mul3A_174, %add3A_175 : i32
          %add3A_177 = vector.broadcast %add3A_176 : i32 to vector<16xi32>
          %add3A_178 = arith.addi %mul3A_172, %add3A_177 : vector<16xi32>
          %gather3A = tpu.vector_load_idx %arg14[%add3A_178] : memref<512xf32, #tpu.memory_space<vmem>>[vector<16xi32>], vector<16xf32>,
          %mul3A_179 = arith.constant 256 : i32
          %mul3A_180 = vector.broadcast %mul3A_179 : i32 to vector<16xi32>
          %mul3A_181 = arith.muli %iota3A, %mul3A_180 : vector<16xi32>
          %mul3A_182 = arith.constant 4096 : i32
          %mul3A_183 = arith.muli %scan3A_168, %mul3A_182 : i32
          %add3A_184 = arith.constant 255 : i32
          %add3A_185 = arith.addi %mul3A_183, %add3A_184 : i32
          %add3A_186 = vector.broadcast %add3A_185 : i32 to vector<16xi32>
          %add3A_187 = arith.addi %mul3A_181, %add3A_186 : vector<16xi32>
          %gather3A_188 = tpu.vector_load_idx %arg13[%add3A_187] : memref<8192xf32, #tpu.memory_space<vmem>>[vector<16xi32>], vector<16xf32>,
          %add3A_189 = arith.addf %gather3A, %gather3A_188 : vector<16xf32>
          %broadcast_in_dim3A_190 = arith.constant true
          %broadcast_in_dim3A_191 = vector.broadcast %broadcast_in_dim3A_190 : i1 to vector<16xi1>
          %masked_cumsum3A = tpu.scan <sum>, %add3A_189 masked %broadcast_in_dim3A_191 : vector<16xf32>, vector<16xi1> -> vector<16xf32>
          %add3A_192 = vector.broadcast %scan3A_169 : f32 to vector<16xf32>
          %add3A_193 = arith.addf %masked_cumsum3A, %add3A_192 : vector<16xf32>
          %sub3A_194 = arith.subf %add3A_193, %add3A_189 : vector<16xf32>
          %mul3A_195 = arith.constant 16 : i32
          %mul3A_196 = arith.muli %scan3A_168, %mul3A_195 : i32
          %swap3A = arith.index_cast %mul3A_196 : i32 to index
          %swap3A_197 = tpu.vector_load %arg15[%swap3A] {strides = array<i32>} : memref<32xf32, #tpu.memory_space<vmem>>, vector<16xf32>,
          tpu.vector_store %arg15[%swap3A], %sub3A_194 {strides = array<i32>} : memref<32xf32, #tpu.memory_space<vmem>>, vector<16xf32>,
          %slice3A_198 = vector.extract_strided_slice %add3A_193 {offsets = [15], sizes = [1], strides = [1]} : vector<16xf32> to vector<1xf32>
          %squeeze3A_199 = vector.extract %slice3A_198[0] : f32 from vector<1xf32>
          scf.yield %squeeze3A_199 : f32
        }
        %scan3A_158 = arith.constant 2 : i32
        %eq3A = arith.cmpi eq, %add3A_115, %select_n3A : i32
        %convert_element_type3A_159 = arith.extui %eq3A : i1 to i32
        %cond3A_160 = arith.constant 0 : i32
        %cond3A_161 = arith.cmpi ne, %convert_element_type3A_159, %cond3A_160 : i32
        scf.if %cond3A_161 {
          %mul3A_168 = arith.constant 0 : i32
          %mul3A_169 = vector.broadcast %mul3A_168 : i32 to vector<16xi32>
          %mul3A_170 = arith.muli %iota3A, %mul3A_169 : vector<16xi32>
          %sub3A_171 = arith.constant 1 : i32
          %sub3A_172 = arith.subi %squeeze3A, %sub3A_171 : i32
          %sub3A_173 = arith.subi %sub3A_172, %mul3A_147 : i32
          %jit3A_174 = arith.constant 0 : i32
          %jit3A_175 = arith.constant 8191 : i32
          %max3A_176 = arith.maxsi %jit3A_174, %sub3A_173 : i32
          %min3A = arith.minsi %jit3A_175, %max3A_176 : i32
          %add3A_177 = vector.broadcast %min3A : i32 to vector<16xi32>
          %add3A_178 = arith.addi %mul3A_170, %add3A_177 : vector<16xi32>
          %gather3A = tpu.vector_load_idx %arg13[%add3A_178] : memref<8192xf32, #tpu.memory_space<vmem>>[vector<16xi32>], vector<16xf32>,
          %shift_right_logical3A = arith.constant 4 : i32
          %shift_right_logical3A_179 = vector.broadcast %shift_right_logical3A : i32 to vector<16xi32>
          %shift_right_logical3A_180 = arith.shrui %add3A_178, %shift_right_logical3A_179 : vector<16xi32>
          %gather3A_181 = tpu.vector_load_idx %arg14[%shift_right_logical3A_180] : memref<512xf32, #tpu.memory_space<vmem>>[vector<16xi32>], vector<16xf32>,
          %add3A_182 = arith.addf %gather3A, %gather3A_181 : vector<16xf32>
          %shift_right_logical3A_183 = arith.constant 8 : i32
          %shift_right_logical3A_184 = vector.broadcast %shift_right_logical3A_183 : i32 to vector<16xi32>
          %shift_right_logical3A_185 = arith.shrui %add3A_178, %shift_right_logical3A_184 : vector<16xi32>
          %gather3A_186 = tpu.vector_load_idx %arg15[%shift_right_logical3A_185] : memref<32xf32, #tpu.memory_space<vmem>>[vector<16xi32>], vector<16xf32>,
          %add3A_187 = arith.addf %add3A_182, %gather3A_186 : vector<16xf32>
          %eq3A_188 = arith.constant 15 : i32
          %eq3A_189 = vector.broadcast %eq3A_188 : i32 to vector<16xi32>
          %eq3A_190 = arith.cmpi eq, %iota3A, %eq3A_189 : vector<16xi32>
          %gt3A = arith.cmpi sgt, %squeeze3A, %mul3A_147 : i32
          %and3A_191 = vector.broadcast %gt3A : i1 to vector<16xi1>
          %and3A_192 = arith.andi %eq3A_190, %and3A_191 : vector<16xi1>
          %jit3A_193 = arith.constant 0.000000e+00 : f32
          %broadcast_in_dim3A_194 = vector.broadcast %jit3A_193 : f32 to vector<16xf32>
          %select_n3A_195 = arith.select %and3A_192, %add3A_187, %broadcast_in_dim3A_194 : vector<16xi1>, vector<16xf32>
          %swap3A = arith.constant 0 : index
          %swap3A_196 = tpu.vector_load %arg16[%swap3A] {strides = array<i32>} : memref<2064xf32, #tpu.memory_space<vmem>>, vector<16xf32>,
          tpu.vector_store %arg16[%swap3A], %select_n3A_195 {strides = array<i32>} : memref<2064xf32, #tpu.memory_space<vmem>>, vector<16xf32>,
        } else {
        }
        %add3A_162 = arith.constant 8192 : i32
        %add3A_163 = arith.addi %mul3A_147, %add3A_162 : i32
        %while3A_164 = arith.constant false
        %while3A_165:2 = scf.while (%while3A_168 = %cond3A_124#0, %while3A_169 = %while3A_164) : (i32, i1) -> (i32, i1) {
          %not3A = arith.constant true
          %not3A_170 = arith.xori %while3A_169, %not3A : i1
          %lt3A_171 = arith.constant 128 : i32
          %lt3A_172 = arith.cmpi slt, %while3A_168, %lt3A_171 : i32
          %and3A_173 = arith.andi %not3A_170, %lt3A_172 : i1
          scf.condition(%and3A_173) %while3A_168, %while3A_169 : i32, i1
        } do {
        ^bb0(%while3A_168: i32, %while3A_169: i1):
          %mul3A_170 = arith.constant 16 : i32
          %mul3A_171 = arith.muli %while3A_168, %mul3A_170 : i32
          %get3A_172 = arith.index_cast %mul3A_171 : i32 to index
          %get3A_173 = tpu.vector_load %arg8[%get3A_172] {strides = array<i32>} : memref<2064xi32, #tpu.memory_space<vmem>>, vector<16xi32>,
          %slice3A_174 = vector.extract_strided_slice %get3A_173 {offsets = [1], sizes = [1], strides = [1]} : vector<16xi32> to vector<1xi32>
          %squeeze3A_175 = vector.extract %slice3A_174[0] : i32 from vector<1xi32>
          %le3A = arith.cmpi sle, %squeeze3A_175, %add3A_163 : i32
          %convert_element_type3A_176 = arith.extui %le3A : i1 to i32
          %cond3A_177 = arith.constant 0 : i32
          %cond3A_178 = arith.cmpi ne, %convert_element_type3A_176, %cond3A_177 : i32
          scf.if %cond3A_178 {
            %mul3A_183 = arith.constant 16 : i32
            %mul3A_184 = arith.muli %while3A_168, %mul3A_183 : i32
            %add3A_185 = arith.constant 1 : i32
            %add3A_186 = arith.addi %add3A_185, %mul3A_184 : i32
            %add3A_187 = vector.broadcast %add3A_186 : i32 to vector<16xi32>
            %add3A_188 = arith.addi %iota3A, %add3A_187 : vector<16xi32>
            %gather3A = tpu.vector_load_idx %arg8[%add3A_188] : memref<2064xi32, #tpu.memory_space<vmem>>[vector<16xi32>], vector<16xi32>,
            %gt3A = vector.broadcast %mul3A_147 : i32 to vector<16xi32>
            %gt3A_189 = arith.cmpi sgt, %gather3A, %gt3A : vector<16xi32>
            %le3A_190 = vector.broadcast %add3A_163 : i32 to vector<16xi32>
            %le3A_191 = arith.cmpi sle, %gather3A, %le3A_190 : vector<16xi32>
            %and3A_192 = arith.andi %gt3A_189, %le3A_191 : vector<16xi1>
            %sub3A_193 = arith.constant 1 : i32
            %sub3A_194 = vector.broadcast %sub3A_193 : i32 to vector<16xi32>
            %sub3A_195 = arith.subi %gather3A, %sub3A_194 : vector<16xi32>
            %sub3A_196 = vector.broadcast %mul3A_147 : i32 to vector<16xi32>
            %sub3A_197 = arith.subi %sub3A_195, %sub3A_196 : vector<16xi32>
            %jit3A_198 = arith.constant 0 : i32
            %jit3A_199 = arith.constant 8191 : i32
            %max3A_200 = vector.broadcast %jit3A_198 : i32 to vector<16xi32>
            %max3A_201 = arith.maxsi %max3A_200, %sub3A_197 : vector<16xi32>
            %min3A = vector.broadcast %jit3A_199 : i32 to vector<16xi32>
            %min3A_202 = arith.minsi %min3A, %max3A_201 : vector<16xi32>
            %gather3A_203 = tpu.vector_load_idx %arg13[%min3A_202] : memref<8192xf32, #tpu.memory_space<vmem>>[vector<16xi32>], vector<16xf32>,
            %shift_right_logical3A = arith.constant 4 : i32
            %shift_right_logical3A_204 = vector.broadcast %shift_right_logical3A : i32 to vector<16xi32>
            %shift_right_logical3A_205 = arith.shrui %min3A_202, %shift_right_logical3A_204 : vector<16xi32>
            %gather3A_206 = tpu.vector_load_idx %arg14[%shift_right_logical3A_205] : memref<512xf32, #tpu.memory_space<vmem>>[vector<16xi32>], vector<16xf32>,
            %add3A_207 = arith.addf %gather3A_203, %gather3A_206 : vector<16xf32>
            %shift_right_logical3A_208 = arith.constant 8 : i32
            %shift_right_logical3A_209 = vector.broadcast %shift_right_logical3A_208 : i32 to vector<16xi32>
            %shift_right_logical3A_210 = arith.shrui %min3A_202, %shift_right_logical3A_209 : vector<16xi32>
            %gather3A_211 = tpu.vector_load_idx %arg15[%shift_right_logical3A_210] : memref<32xf32, #tpu.memory_space<vmem>>[vector<16xi32>], vector<16xf32>,
            %add3A_212 = arith.addf %add3A_207, %gather3A_211 : vector<16xf32>
            %mul3A_213 = arith.constant 16 : i32
            %mul3A_214 = arith.muli %while3A_168, %mul3A_213 : i32
            %add3A_215 = arith.constant 16 : i32
            %add3A_216 = arith.addi %add3A_215, %mul3A_214 : i32
            %get3A_217 = arith.index_cast %add3A_216 : i32 to index
            %get3A_218 = tpu.vector_load %arg16[%get3A_217] {strides = array<i32>} : memref<2064xf32, #tpu.memory_space<vmem>>, vector<16xf32>,
            %select_n3A_219 = arith.select %and3A_192, %add3A_212, %get3A_218 : vector<16xi1>, vector<16xf32>
            %mul3A_220 = arith.constant 16 : i32
            %mul3A_221 = arith.muli %while3A_168, %mul3A_220 : i32
            %add3A_222 = arith.constant 16 : i32
            %add3A_223 = arith.addi %add3A_222, %mul3A_221 : i32
            %swap3A = arith.index_cast %add3A_223 : i32 to index
            %swap3A_224 = tpu.vector_load %arg16[%swap3A] {strides = array<i32>} : memref<2064xf32, #tpu.memory_space<vmem>>, vector<16xf32>,
            tpu.vector_store %arg16[%swap3A], %select_n3A_219 {strides = array<i32>} : memref<2064xf32, #tpu.memory_space<vmem>>, vector<16xf32>,
          } else {
          }
          %add3A_179 = arith.constant 1 : i32
          %add3A_180 = arith.addi %while3A_168, %add3A_179 : i32
          %select_n3A_181 = arith.select %le3A, %add3A_180, %while3A_168 : i32
          %not3A = arith.constant true
          %not3A_182 = arith.xori %le3A, %not3A : i1
          scf.yield %select_n3A_181, %not3A_182 : i32, i1
        }
        %sub3A_166 = arith.constant 1 : i32
        %sub3A_167 = arith.subi %while3A_165#0, %sub3A_166 : i32
        %max3A = arith.maxsi %cond3A_124#0, %sub3A_167 : i32
        scf.yield %max3A, %scan3A_157 : i32, f32
      } else {
        scf.yield %cond3A_124#0, %cond3A_124#1 : i32, f32
      }
      %add3A_140 = arith.constant 2 : i32
      %add3A_141 = arith.addi %add3A_115, %add3A_140 : i32
      %lt3A_142 = arith.cmpi slt, %add3A_141, %select_n3A_56 : i32
      %convert_element_type3A_143 = arith.extui %lt3A_142 : i1 to i32
      %cond3A_144 = arith.constant 0 : i32
      %cond3A_145 = arith.cmpi ne, %convert_element_type3A_143, %cond3A_144 : i32
      scf.if %cond3A_145 {
        %mul3A_146 = arith.constant 8192 : i32
        %mul3A_147 = arith.muli %add3A_141, %mul3A_146 : i32
        %dma_start3A = tpu.memref_slice %arg2[%mul3A_147] : memref<4194304xf32, #tpu.memory_space<hbm>> -> memref<8192xf32, #tpu.memory_space<hbm>>
        %dma_start3A_148 = tpu.memref_slice %arg2[%mul3A_147] : memref<4194304xf32, #tpu.memory_space<hbm>> -> memref<8192xf32, #tpu.memory_space<hbm>>
        tpu.enqueue_dma source(%dma_start3A_148 : memref<8192xf32, #tpu.memory_space<hbm>>) target(%arg11 : memref<8192xf32, #tpu.memory_space<vmem>>) target_semaphore(%arg19 : memref<!tpu.dma_semaphore, #tpu.memory_space<semaphore_mem>>)
        %dma_start3A_149 = tpu.memref_slice %arg4[%mul3A_147] : memref<4194304xi32, #tpu.memory_space<hbm>> -> memref<8192xi32, #tpu.memory_space<hbm>>
        %dma_start3A_150 = tpu.memref_slice %arg4[%mul3A_147] : memref<4194304xi32, #tpu.memory_space<hbm>> -> memref<8192xi32, #tpu.memory_space<hbm>>
        tpu.enqueue_dma source(%dma_start3A_150 : memref<8192xi32, #tpu.memory_space<hbm>>) target(%arg12 : memref<8192xi32, #tpu.memory_space<vmem>>) target_semaphore(%arg19 : memref<!tpu.dma_semaphore, #tpu.memory_space<semaphore_mem>>)
      } else {
      }
      scf.yield %cond3A_139#0, %cond3A_139#1 : i32, f32
    }
    %while3A_101 = arith.constant 1 : i32
    %while3A_102:2 = scf.for %while3A_108 = %while3A_98 to %while3A_94 step %while3A_101 iter_args(%while3A_109 = %while3A_100#0, %while3A_110 = %while3A_100#1) -> (i32, f32)  : i32 {
      %mul3A_111 = arith.constant 2 : i32
      %mul3A_112 = arith.muli %mul3A_111, %while3A_108 : i32
      %add3A_113 = arith.addi %select_n3A, %mul3A_112 : i32
      %add3A_114 = arith.constant 1 : i32
      %add3A_115 = arith.addi %add3A_113, %add3A_114 : i32
      %lt3A_116 = arith.cmpi slt, %add3A_113, %select_n3A_56 : i32
      %convert_element_type3A_117 = arith.extui %lt3A_116 : i1 to i32
      %cond3A_118 = arith.constant 0 : i32
      %cond3A_119 = arith.cmpi ne, %convert_element_type3A_117, %cond3A_118 : i32
      scf.if %cond3A_119 {
        %dma_wait3A = arith.constant 0 : i32
        %dma_wait3A_146 = tpu.memref_slice %arg2[%dma_wait3A] : memref<4194304xf32, #tpu.memory_space<hbm>> -> memref<8192xf32, #tpu.memory_space<hbm>>
        %dma_wait3A_147 = arith.constant 0 : i32
        %dma_wait3A_148 = tpu.memref_slice %arg2[%dma_wait3A_147] : memref<4194304xf32, #tpu.memory_space<hbm>> -> memref<8192xf32, #tpu.memory_space<hbm>>
        tpu.wait_dma2 semaphore(%arg18 : memref<!tpu.dma_semaphore, #tpu.memory_space<semaphore_mem>>) src(%dma_wait3A_148 : memref<8192xf32, #tpu.memory_space<hbm>>) dst(%arg9 : memref<8192xf32, #tpu.memory_space<vmem>>)
        %dma_wait3A_149 = arith.constant 0 : i32
        %dma_wait3A_150 = tpu.memref_slice %arg4[%dma_wait3A_149] : memref<4194304xi32, #tpu.memory_space<hbm>> -> memref<8192xi32, #tpu.memory_space<hbm>>
        %dma_wait3A_151 = arith.constant 0 : i32
        %dma_wait3A_152 = tpu.memref_slice %arg4[%dma_wait3A_151] : memref<4194304xi32, #tpu.memory_space<hbm>> -> memref<8192xi32, #tpu.memory_space<hbm>>
        tpu.wait_dma2 semaphore(%arg18 : memref<!tpu.dma_semaphore, #tpu.memory_space<semaphore_mem>>) src(%dma_wait3A_152 : memref<8192xi32, #tpu.memory_space<hbm>>) dst(%arg10 : memref<8192xi32, #tpu.memory_space<vmem>>)
      } else {
      }
      %lt3A_120 = arith.cmpi slt, %add3A_113, %select_n3A_56 : i32
      %convert_element_type3A_121 = arith.extui %lt3A_120 : i1 to i32
      %cond3A_122 = arith.constant 0 : i32
      %cond3A_123 = arith.cmpi ne, %convert_element_type3A_121, %cond3A_122 : i32
      %cond3A_124:2 = scf.if %cond3A_123 -> (i32, f32) {
        %mul3A_146 = arith.constant 8192 : i32
        %mul3A_147 = arith.muli %add3A_113, %mul3A_146 : i32
        %parallel_loop3A = arith.constant 0 : i32
        %parallel_loop3A_148 = arith.constant 512 : i32
        %parallel_loop3A_149 = arith.constant 1 : i32
        scf.for %parallel_loop3A_168 = %parallel_loop3A to %parallel_loop3A_148 step %parallel_loop3A_149  : i32 {
          %parallel_loop3A_169 = arith.constant 16 : i32
          %parallel_loop3A_170 = arith.muli %parallel_loop3A_168, %parallel_loop3A_169 : i32
          %parallel_loop3A_171 = arith.index_cast %parallel_loop3A_170 : i32 to index
          %parallel_loop3A_172 = tpu.vector_load %arg10[%parallel_loop3A_171] {strides = array<i32>} : memref<8192xi32, #tpu.memory_space<vmem>>, vector<16xi32>,
          %parallel_loop3A_173 = arith.index_cast %parallel_loop3A_170 : i32 to index
          %parallel_loop3A_174 = tpu.vector_load %arg9[%parallel_loop3A_173] {strides = array<i32>} : memref<8192xf32, #tpu.memory_space<vmem>>, vector<16xf32>,
          %parallel_loop3A_175 = tpu.vector_load_idx %arg7[%parallel_loop3A_172] : memref<65536xf32, #tpu.memory_space<vmem>>[vector<16xi32>], vector<16xf32>,
          %parallel_loop3A_176 = arith.mulf %parallel_loop3A_174, %parallel_loop3A_175 : vector<16xf32>
          %parallel_loop3A_177 = arith.constant true
          %parallel_loop3A_178 = vector.broadcast %parallel_loop3A_177 : i1 to vector<16xi1>
          %parallel_loop3A_179 = tpu.scan <sum>, %parallel_loop3A_176 masked %parallel_loop3A_178 : vector<16xf32>, vector<16xi1> -> vector<16xf32>
          %parallel_loop3A_180 = arith.index_cast %parallel_loop3A_170 : i32 to index
          %parallel_loop3A_181 = tpu.vector_load %arg13[%parallel_loop3A_180] {strides = array<i32>} : memref<8192xf32, #tpu.memory_space<vmem>>, vector<16xf32>,
          tpu.vector_store %arg13[%parallel_loop3A_180], %parallel_loop3A_179 {strides = array<i32>} : memref<8192xf32, #tpu.memory_space<vmem>>, vector<16xf32>,
        } {sc.loop_unroll_factor = 16 : i64, sc.parallel_access}
        %parallel_loop3A_150 = arith.constant 0 : i32
        %parallel_loop3A_151 = arith.constant 32 : i32
        %parallel_loop3A_152 = arith.constant 1 : i32
        scf.for %parallel_loop3A_168 = %parallel_loop3A_150 to %parallel_loop3A_151 step %parallel_loop3A_152  : i32 {
          %parallel_loop3A_169 = arith.constant 16 : i32
          %parallel_loop3A_170 = vector.broadcast %parallel_loop3A_169 : i32 to vector<16xi32>
          %parallel_loop3A_171 = arith.muli %iota3A, %parallel_loop3A_170 : vector<16xi32>
          %parallel_loop3A_172 = arith.constant 256 : i32
          %parallel_loop3A_173 = arith.muli %parallel_loop3A_168, %parallel_loop3A_172 : i32
          %parallel_loop3A_174 = arith.constant 15 : i32
          %parallel_loop3A_175 = arith.addi %parallel_loop3A_173, %parallel_loop3A_174 : i32
          %parallel_loop3A_176 = vector.broadcast %parallel_loop3A_175 : i32 to vector<16xi32>
          %parallel_loop3A_177 = arith.addi %parallel_loop3A_171, %parallel_loop3A_176 : vector<16xi32>
          %parallel_loop3A_178 = tpu.vector_load_idx %arg13[%parallel_loop3A_177] : memref<8192xf32, #tpu.memory_space<vmem>>[vector<16xi32>], vector<16xf32>,
          %parallel_loop3A_179 = arith.constant true
          %parallel_loop3A_180 = vector.broadcast %parallel_loop3A_179 : i1 to vector<16xi1>
          %parallel_loop3A_181 = tpu.scan <sum>, %parallel_loop3A_178 masked %parallel_loop3A_180 : vector<16xf32>, vector<16xi1> -> vector<16xf32>
          %parallel_loop3A_182 = arith.subf %parallel_loop3A_181, %parallel_loop3A_178 : vector<16xf32>
          %parallel_loop3A_183 = arith.constant 16 : i32
          %parallel_loop3A_184 = arith.muli %parallel_loop3A_168, %parallel_loop3A_183 : i32
          %parallel_loop3A_185 = arith.index_cast %parallel_loop3A_184 : i32 to index
          %parallel_loop3A_186 = tpu.vector_load %arg14[%parallel_loop3A_185] {strides = array<i32>} : memref<512xf32, #tpu.memory_space<vmem>>, vector<16xf32>,
          tpu.vector_store %arg14[%parallel_loop3A_185], %parallel_loop3A_182 {strides = array<i32>} : memref<512xf32, #tpu.memory_space<vmem>>, vector<16xf32>,
        } {sc.loop_unroll_factor = 2 : i64, sc.parallel_access}
        %scan3A_153 = arith.constant 0 : i32
        %scan3A_154 = arith.constant 2 : i32
        %scan3A_155 = arith.addi %scan3A_153, %scan3A_154 : i32
        %scan3A_156 = arith.constant 1 : i32
        %scan3A_157 = scf.for %scan3A_168 = %scan3A_153 to %scan3A_155 step %scan3A_156 iter_args(%scan3A_169 = %while3A_110) -> (f32)  : i32 {
          %mul3A_170 = arith.constant 16 : i32
          %mul3A_171 = vector.broadcast %mul3A_170 : i32 to vector<16xi32>
          %mul3A_172 = arith.muli %iota3A, %mul3A_171 : vector<16xi32>
          %mul3A_173 = arith.constant 256 : i32
          %mul3A_174 = arith.muli %scan3A_168, %mul3A_173 : i32
          %add3A_175 = arith.constant 15 : i32
          %add3A_176 = arith.addi %mul3A_174, %add3A_175 : i32
          %add3A_177 = vector.broadcast %add3A_176 : i32 to vector<16xi32>
          %add3A_178 = arith.addi %mul3A_172, %add3A_177 : vector<16xi32>
          %gather3A = tpu.vector_load_idx %arg14[%add3A_178] : memref<512xf32, #tpu.memory_space<vmem>>[vector<16xi32>], vector<16xf32>,
          %mul3A_179 = arith.constant 256 : i32
          %mul3A_180 = vector.broadcast %mul3A_179 : i32 to vector<16xi32>
          %mul3A_181 = arith.muli %iota3A, %mul3A_180 : vector<16xi32>
          %mul3A_182 = arith.constant 4096 : i32
          %mul3A_183 = arith.muli %scan3A_168, %mul3A_182 : i32
          %add3A_184 = arith.constant 255 : i32
          %add3A_185 = arith.addi %mul3A_183, %add3A_184 : i32
          %add3A_186 = vector.broadcast %add3A_185 : i32 to vector<16xi32>
          %add3A_187 = arith.addi %mul3A_181, %add3A_186 : vector<16xi32>
          %gather3A_188 = tpu.vector_load_idx %arg13[%add3A_187] : memref<8192xf32, #tpu.memory_space<vmem>>[vector<16xi32>], vector<16xf32>,
          %add3A_189 = arith.addf %gather3A, %gather3A_188 : vector<16xf32>
          %broadcast_in_dim3A_190 = arith.constant true
          %broadcast_in_dim3A_191 = vector.broadcast %broadcast_in_dim3A_190 : i1 to vector<16xi1>
          %masked_cumsum3A = tpu.scan <sum>, %add3A_189 masked %broadcast_in_dim3A_191 : vector<16xf32>, vector<16xi1> -> vector<16xf32>
          %add3A_192 = vector.broadcast %scan3A_169 : f32 to vector<16xf32>
          %add3A_193 = arith.addf %masked_cumsum3A, %add3A_192 : vector<16xf32>
          %sub3A_194 = arith.subf %add3A_193, %add3A_189 : vector<16xf32>
          %mul3A_195 = arith.constant 16 : i32
          %mul3A_196 = arith.muli %scan3A_168, %mul3A_195 : i32
          %swap3A = arith.index_cast %mul3A_196 : i32 to index
          %swap3A_197 = tpu.vector_load %arg15[%swap3A] {strides = array<i32>} : memref<32xf32, #tpu.memory_space<vmem>>, vector<16xf32>,
          tpu.vector_store %arg15[%swap3A], %sub3A_194 {strides = array<i32>} : memref<32xf32, #tpu.memory_space<vmem>>, vector<16xf32>,
          %slice3A_198 = vector.extract_strided_slice %add3A_193 {offsets = [15], sizes = [1], strides = [1]} : vector<16xf32> to vector<1xf32>
          %squeeze3A_199 = vector.extract %slice3A_198[0] : f32 from vector<1xf32>
          scf.yield %squeeze3A_199 : f32
        }
        %scan3A_158 = arith.constant 2 : i32
        %eq3A = arith.cmpi eq, %add3A_113, %select_n3A : i32
        %convert_element_type3A_159 = arith.extui %eq3A : i1 to i32
        %cond3A_160 = arith.constant 0 : i32
        %cond3A_161 = arith.cmpi ne, %convert_element_type3A_159, %cond3A_160 : i32
        scf.if %cond3A_161 {
          %mul3A_168 = arith.constant 0 : i32
          %mul3A_169 = vector.broadcast %mul3A_168 : i32 to vector<16xi32>
          %mul3A_170 = arith.muli %iota3A, %mul3A_169 : vector<16xi32>
          %sub3A_171 = arith.constant 1 : i32
          %sub3A_172 = arith.subi %squeeze3A, %sub3A_171 : i32
          %sub3A_173 = arith.subi %sub3A_172, %mul3A_147 : i32
          %jit3A_174 = arith.constant 0 : i32
          %jit3A_175 = arith.constant 8191 : i32
          %max3A_176 = arith.maxsi %jit3A_174, %sub3A_173 : i32
          %min3A = arith.minsi %jit3A_175, %max3A_176 : i32
          %add3A_177 = vector.broadcast %min3A : i32 to vector<16xi32>
          %add3A_178 = arith.addi %mul3A_170, %add3A_177 : vector<16xi32>
          %gather3A = tpu.vector_load_idx %arg13[%add3A_178] : memref<8192xf32, #tpu.memory_space<vmem>>[vector<16xi32>], vector<16xf32>,
          %shift_right_logical3A = arith.constant 4 : i32
          %shift_right_logical3A_179 = vector.broadcast %shift_right_logical3A : i32 to vector<16xi32>
          %shift_right_logical3A_180 = arith.shrui %add3A_178, %shift_right_logical3A_179 : vector<16xi32>
          %gather3A_181 = tpu.vector_load_idx %arg14[%shift_right_logical3A_180] : memref<512xf32, #tpu.memory_space<vmem>>[vector<16xi32>], vector<16xf32>,
          %add3A_182 = arith.addf %gather3A, %gather3A_181 : vector<16xf32>
          %shift_right_logical3A_183 = arith.constant 8 : i32
          %shift_right_logical3A_184 = vector.broadcast %shift_right_logical3A_183 : i32 to vector<16xi32>
          %shift_right_logical3A_185 = arith.shrui %add3A_178, %shift_right_logical3A_184 : vector<16xi32>
          %gather3A_186 = tpu.vector_load_idx %arg15[%shift_right_logical3A_185] : memref<32xf32, #tpu.memory_space<vmem>>[vector<16xi32>], vector<16xf32>,
          %add3A_187 = arith.addf %add3A_182, %gather3A_186 : vector<16xf32>
          %eq3A_188 = arith.constant 15 : i32
          %eq3A_189 = vector.broadcast %eq3A_188 : i32 to vector<16xi32>
          %eq3A_190 = arith.cmpi eq, %iota3A, %eq3A_189 : vector<16xi32>
          %gt3A = arith.cmpi sgt, %squeeze3A, %mul3A_147 : i32
          %and3A_191 = vector.broadcast %gt3A : i1 to vector<16xi1>
          %and3A_192 = arith.andi %eq3A_190, %and3A_191 : vector<16xi1>
          %jit3A_193 = arith.constant 0.000000e+00 : f32
          %broadcast_in_dim3A_194 = vector.broadcast %jit3A_193 : f32 to vector<16xf32>
          %select_n3A_195 = arith.select %and3A_192, %add3A_187, %broadcast_in_dim3A_194 : vector<16xi1>, vector<16xf32>
          %swap3A = arith.constant 0 : index
          %swap3A_196 = tpu.vector_load %arg16[%swap3A] {strides = array<i32>} : memref<2064xf32, #tpu.memory_space<vmem>>, vector<16xf32>,
          tpu.vector_store %arg16[%swap3A], %select_n3A_195 {strides = array<i32>} : memref<2064xf32, #tpu.memory_space<vmem>>, vector<16xf32>,
        } else {
        }
        %add3A_162 = arith.constant 8192 : i32
        %add3A_163 = arith.addi %mul3A_147, %add3A_162 : i32
        %while3A_164 = arith.constant false
        %while3A_165:2 = scf.while (%while3A_168 = %while3A_109, %while3A_169 = %while3A_164) : (i32, i1) -> (i32, i1) {
          %not3A = arith.constant true
          %not3A_170 = arith.xori %while3A_169, %not3A : i1
          %lt3A_171 = arith.constant 128 : i32
          %lt3A_172 = arith.cmpi slt, %while3A_168, %lt3A_171 : i32
          %and3A_173 = arith.andi %not3A_170, %lt3A_172 : i1
          scf.condition(%and3A_173) %while3A_168, %while3A_169 : i32, i1
        } do {
        ^bb0(%while3A_168: i32, %while3A_169: i1):
          %mul3A_170 = arith.constant 16 : i32
          %mul3A_171 = arith.muli %while3A_168, %mul3A_170 : i32
          %get3A_172 = arith.index_cast %mul3A_171 : i32 to index
          %get3A_173 = tpu.vector_load %arg8[%get3A_172] {strides = array<i32>} : memref<2064xi32, #tpu.memory_space<vmem>>, vector<16xi32>,
          %slice3A_174 = vector.extract_strided_slice %get3A_173 {offsets = [1], sizes = [1], strides = [1]} : vector<16xi32> to vector<1xi32>
          %squeeze3A_175 = vector.extract %slice3A_174[0] : i32 from vector<1xi32>
          %le3A = arith.cmpi sle, %squeeze3A_175, %add3A_163 : i32
          %convert_element_type3A_176 = arith.extui %le3A : i1 to i32
          %cond3A_177 = arith.constant 0 : i32
          %cond3A_178 = arith.cmpi ne, %convert_element_type3A_176, %cond3A_177 : i32
          scf.if %cond3A_178 {
            %mul3A_183 = arith.constant 16 : i32
            %mul3A_184 = arith.muli %while3A_168, %mul3A_183 : i32
            %add3A_185 = arith.constant 1 : i32
            %add3A_186 = arith.addi %add3A_185, %mul3A_184 : i32
            %add3A_187 = vector.broadcast %add3A_186 : i32 to vector<16xi32>
            %add3A_188 = arith.addi %iota3A, %add3A_187 : vector<16xi32>
            %gather3A = tpu.vector_load_idx %arg8[%add3A_188] : memref<2064xi32, #tpu.memory_space<vmem>>[vector<16xi32>], vector<16xi32>,
            %gt3A = vector.broadcast %mul3A_147 : i32 to vector<16xi32>
            %gt3A_189 = arith.cmpi sgt, %gather3A, %gt3A : vector<16xi32>
            %le3A_190 = vector.broadcast %add3A_163 : i32 to vector<16xi32>
            %le3A_191 = arith.cmpi sle, %gather3A, %le3A_190 : vector<16xi32>
            %and3A_192 = arith.andi %gt3A_189, %le3A_191 : vector<16xi1>
            %sub3A_193 = arith.constant 1 : i32
            %sub3A_194 = vector.broadcast %sub3A_193 : i32 to vector<16xi32>
            %sub3A_195 = arith.subi %gather3A, %sub3A_194 : vector<16xi32>
            %sub3A_196 = vector.broadcast %mul3A_147 : i32 to vector<16xi32>
            %sub3A_197 = arith.subi %sub3A_195, %sub3A_196 : vector<16xi32>
            %jit3A_198 = arith.constant 0 : i32
            %jit3A_199 = arith.constant 8191 : i32
            %max3A_200 = vector.broadcast %jit3A_198 : i32 to vector<16xi32>
            %max3A_201 = arith.maxsi %max3A_200, %sub3A_197 : vector<16xi32>
            %min3A = vector.broadcast %jit3A_199 : i32 to vector<16xi32>
            %min3A_202 = arith.minsi %min3A, %max3A_201 : vector<16xi32>
            %gather3A_203 = tpu.vector_load_idx %arg13[%min3A_202] : memref<8192xf32, #tpu.memory_space<vmem>>[vector<16xi32>], vector<16xf32>,
            %shift_right_logical3A = arith.constant 4 : i32
            %shift_right_logical3A_204 = vector.broadcast %shift_right_logical3A : i32 to vector<16xi32>
            %shift_right_logical3A_205 = arith.shrui %min3A_202, %shift_right_logical3A_204 : vector<16xi32>
            %gather3A_206 = tpu.vector_load_idx %arg14[%shift_right_logical3A_205] : memref<512xf32, #tpu.memory_space<vmem>>[vector<16xi32>], vector<16xf32>,
            %add3A_207 = arith.addf %gather3A_203, %gather3A_206 : vector<16xf32>
            %shift_right_logical3A_208 = arith.constant 8 : i32
            %shift_right_logical3A_209 = vector.broadcast %shift_right_logical3A_208 : i32 to vector<16xi32>
            %shift_right_logical3A_210 = arith.shrui %min3A_202, %shift_right_logical3A_209 : vector<16xi32>
            %gather3A_211 = tpu.vector_load_idx %arg15[%shift_right_logical3A_210] : memref<32xf32, #tpu.memory_space<vmem>>[vector<16xi32>], vector<16xf32>,
            %add3A_212 = arith.addf %add3A_207, %gather3A_211 : vector<16xf32>
            %mul3A_213 = arith.constant 16 : i32
            %mul3A_214 = arith.muli %while3A_168, %mul3A_213 : i32
            %add3A_215 = arith.constant 16 : i32
            %add3A_216 = arith.addi %add3A_215, %mul3A_214 : i32
            %get3A_217 = arith.index_cast %add3A_216 : i32 to index
            %get3A_218 = tpu.vector_load %arg16[%get3A_217] {strides = array<i32>} : memref<2064xf32, #tpu.memory_space<vmem>>, vector<16xf32>,
            %select_n3A_219 = arith.select %and3A_192, %add3A_212, %get3A_218 : vector<16xi1>, vector<16xf32>
            %mul3A_220 = arith.constant 16 : i32
            %mul3A_221 = arith.muli %while3A_168, %mul3A_220 : i32
            %add3A_222 = arith.constant 16 : i32
            %add3A_223 = arith.addi %add3A_222, %mul3A_221 : i32
            %swap3A = arith.index_cast %add3A_223 : i32 to index
            %swap3A_224 = tpu.vector_load %arg16[%swap3A] {strides = array<i32>} : memref<2064xf32, #tpu.memory_space<vmem>>, vector<16xf32>,
            tpu.vector_store %arg16[%swap3A], %select_n3A_219 {strides = array<i32>} : memref<2064xf32, #tpu.memory_space<vmem>>, vector<16xf32>,
          } else {
          }
          %add3A_179 = arith.constant 1 : i32
          %add3A_180 = arith.addi %while3A_168, %add3A_179 : i32
          %select_n3A_181 = arith.select %le3A, %add3A_180, %while3A_168 : i32
          %not3A = arith.constant true
          %not3A_182 = arith.xori %le3A, %not3A : i1
          scf.yield %select_n3A_181, %not3A_182 : i32, i1
        }
        %sub3A_166 = arith.constant 1 : i32
        %sub3A_167 = arith.subi %while3A_165#0, %sub3A_166 : i32
        %max3A = arith.maxsi %while3A_109, %sub3A_167 : i32
        scf.yield %max3A, %scan3A_157 : i32, f32
      } else {
        scf.yield %while3A_109, %while3A_110 : i32, f32
      }
      %add3A_125 = arith.constant 2 : i32
      %add3A_126 = arith.addi %add3A_113, %add3A_125 : i32
      %lt3A_127 = arith.cmpi slt, %add3A_126, %select_n3A_56 : i32
      %convert_element_type3A_128 = arith.extui %lt3A_127 : i1 to i32
      %cond3A_129 = arith.constant 0 : i32
      %cond3A_130 = arith.cmpi ne, %convert_element_type3A_128, %cond3A_129 : i32
      scf.if %cond3A_130 {
        %mul3A_146 = arith.constant 8192 : i32
        %mul3A_147 = arith.muli %add3A_126, %mul3A_146 : i32
        %dma_start3A = tpu.memref_slice %arg2[%mul3A_147] : memref<4194304xf32, #tpu.memory_space<hbm>> -> memref<8192xf32, #tpu.memory_space<hbm>>
        %dma_start3A_148 = tpu.memref_slice %arg2[%mul3A_147] : memref<4194304xf32, #tpu.memory_space<hbm>> -> memref<8192xf32, #tpu.memory_space<hbm>>
        tpu.enqueue_dma source(%dma_start3A_148 : memref<8192xf32, #tpu.memory_space<hbm>>) target(%arg9 : memref<8192xf32, #tpu.memory_space<vmem>>) target_semaphore(%arg18 : memref<!tpu.dma_semaphore, #tpu.memory_space<semaphore_mem>>)
        %dma_start3A_149 = tpu.memref_slice %arg4[%mul3A_147] : memref<4194304xi32, #tpu.memory_space<hbm>> -> memref<8192xi32, #tpu.memory_space<hbm>>
        %dma_start3A_150 = tpu.memref_slice %arg4[%mul3A_147] : memref<4194304xi32, #tpu.memory_space<hbm>> -> memref<8192xi32, #tpu.memory_space<hbm>>
        tpu.enqueue_dma source(%dma_start3A_150 : memref<8192xi32, #tpu.memory_space<hbm>>) target(%arg10 : memref<8192xi32, #tpu.memory_space<vmem>>) target_semaphore(%arg18 : memref<!tpu.dma_semaphore, #tpu.memory_space<semaphore_mem>>)
      } else {
      }
      %lt3A_131 = arith.cmpi slt, %add3A_115, %select_n3A_56 : i32
      %convert_element_type3A_132 = arith.extui %lt3A_131 : i1 to i32
      %cond3A_133 = arith.constant 0 : i32
      %cond3A_134 = arith.cmpi ne, %convert_element_type3A_132, %cond3A_133 : i32
      scf.if %cond3A_134 {
        %dma_wait3A = arith.constant 0 : i32
        %dma_wait3A_146 = tpu.memref_slice %arg2[%dma_wait3A] : memref<4194304xf32, #tpu.memory_space<hbm>> -> memref<8192xf32, #tpu.memory_space<hbm>>
        %dma_wait3A_147 = arith.constant 0 : i32
        %dma_wait3A_148 = tpu.memref_slice %arg2[%dma_wait3A_147] : memref<4194304xf32, #tpu.memory_space<hbm>> -> memref<8192xf32, #tpu.memory_space<hbm>>
        tpu.wait_dma2 semaphore(%arg19 : memref<!tpu.dma_semaphore, #tpu.memory_space<semaphore_mem>>) src(%dma_wait3A_148 : memref<8192xf32, #tpu.memory_space<hbm>>) dst(%arg11 : memref<8192xf32, #tpu.memory_space<vmem>>)
        %dma_wait3A_149 = arith.constant 0 : i32
        %dma_wait3A_150 = tpu.memref_slice %arg4[%dma_wait3A_149] : memref<4194304xi32, #tpu.memory_space<hbm>> -> memref<8192xi32, #tpu.memory_space<hbm>>
        %dma_wait3A_151 = arith.constant 0 : i32
        %dma_wait3A_152 = tpu.memref_slice %arg4[%dma_wait3A_151] : memref<4194304xi32, #tpu.memory_space<hbm>> -> memref<8192xi32, #tpu.memory_space<hbm>>
        tpu.wait_dma2 semaphore(%arg19 : memref<!tpu.dma_semaphore, #tpu.memory_space<semaphore_mem>>) src(%dma_wait3A_152 : memref<8192xi32, #tpu.memory_space<hbm>>) dst(%arg12 : memref<8192xi32, #tpu.memory_space<vmem>>)
      } else {
      }
      %lt3A_135 = arith.cmpi slt, %add3A_115, %select_n3A_56 : i32
      %convert_element_type3A_136 = arith.extui %lt3A_135 : i1 to i32
      %cond3A_137 = arith.constant 0 : i32
      %cond3A_138 = arith.cmpi ne, %convert_element_type3A_136, %cond3A_137 : i32
      %cond3A_139:2 = scf.if %cond3A_138 -> (i32, f32) {
        %mul3A_146 = arith.constant 8192 : i32
        %mul3A_147 = arith.muli %add3A_115, %mul3A_146 : i32
        %parallel_loop3A = arith.constant 0 : i32
        %parallel_loop3A_148 = arith.constant 512 : i32
        %parallel_loop3A_149 = arith.constant 1 : i32
        scf.for %parallel_loop3A_168 = %parallel_loop3A to %parallel_loop3A_148 step %parallel_loop3A_149  : i32 {
          %parallel_loop3A_169 = arith.constant 16 : i32
          %parallel_loop3A_170 = arith.muli %parallel_loop3A_168, %parallel_loop3A_169 : i32
          %parallel_loop3A_171 = arith.index_cast %parallel_loop3A_170 : i32 to index
          %parallel_loop3A_172 = tpu.vector_load %arg12[%parallel_loop3A_171] {strides = array<i32>} : memref<8192xi32, #tpu.memory_space<vmem>>, vector<16xi32>,
          %parallel_loop3A_173 = arith.index_cast %parallel_loop3A_170 : i32 to index
          %parallel_loop3A_174 = tpu.vector_load %arg11[%parallel_loop3A_173] {strides = array<i32>} : memref<8192xf32, #tpu.memory_space<vmem>>, vector<16xf32>,
          %parallel_loop3A_175 = tpu.vector_load_idx %arg7[%parallel_loop3A_172] : memref<65536xf32, #tpu.memory_space<vmem>>[vector<16xi32>], vector<16xf32>,
          %parallel_loop3A_176 = arith.mulf %parallel_loop3A_174, %parallel_loop3A_175 : vector<16xf32>
          %parallel_loop3A_177 = arith.constant true
          %parallel_loop3A_178 = vector.broadcast %parallel_loop3A_177 : i1 to vector<16xi1>
          %parallel_loop3A_179 = tpu.scan <sum>, %parallel_loop3A_176 masked %parallel_loop3A_178 : vector<16xf32>, vector<16xi1> -> vector<16xf32>
          %parallel_loop3A_180 = arith.index_cast %parallel_loop3A_170 : i32 to index
          %parallel_loop3A_181 = tpu.vector_load %arg13[%parallel_loop3A_180] {strides = array<i32>} : memref<8192xf32, #tpu.memory_space<vmem>>, vector<16xf32>,
          tpu.vector_store %arg13[%parallel_loop3A_180], %parallel_loop3A_179 {strides = array<i32>} : memref<8192xf32, #tpu.memory_space<vmem>>, vector<16xf32>,
        } {sc.loop_unroll_factor = 16 : i64, sc.parallel_access}
        %parallel_loop3A_150 = arith.constant 0 : i32
        %parallel_loop3A_151 = arith.constant 32 : i32
        %parallel_loop3A_152 = arith.constant 1 : i32
        scf.for %parallel_loop3A_168 = %parallel_loop3A_150 to %parallel_loop3A_151 step %parallel_loop3A_152  : i32 {
          %parallel_loop3A_169 = arith.constant 16 : i32
          %parallel_loop3A_170 = vector.broadcast %parallel_loop3A_169 : i32 to vector<16xi32>
          %parallel_loop3A_171 = arith.muli %iota3A, %parallel_loop3A_170 : vector<16xi32>
          %parallel_loop3A_172 = arith.constant 256 : i32
          %parallel_loop3A_173 = arith.muli %parallel_loop3A_168, %parallel_loop3A_172 : i32
          %parallel_loop3A_174 = arith.constant 15 : i32
          %parallel_loop3A_175 = arith.addi %parallel_loop3A_173, %parallel_loop3A_174 : i32
          %parallel_loop3A_176 = vector.broadcast %parallel_loop3A_175 : i32 to vector<16xi32>
          %parallel_loop3A_177 = arith.addi %parallel_loop3A_171, %parallel_loop3A_176 : vector<16xi32>
          %parallel_loop3A_178 = tpu.vector_load_idx %arg13[%parallel_loop3A_177] : memref<8192xf32, #tpu.memory_space<vmem>>[vector<16xi32>], vector<16xf32>,
          %parallel_loop3A_179 = arith.constant true
          %parallel_loop3A_180 = vector.broadcast %parallel_loop3A_179 : i1 to vector<16xi1>
          %parallel_loop3A_181 = tpu.scan <sum>, %parallel_loop3A_178 masked %parallel_loop3A_180 : vector<16xf32>, vector<16xi1> -> vector<16xf32>
          %parallel_loop3A_182 = arith.subf %parallel_loop3A_181, %parallel_loop3A_178 : vector<16xf32>
          %parallel_loop3A_183 = arith.constant 16 : i32
          %parallel_loop3A_184 = arith.muli %parallel_loop3A_168, %parallel_loop3A_183 : i32
          %parallel_loop3A_185 = arith.index_cast %parallel_loop3A_184 : i32 to index
          %parallel_loop3A_186 = tpu.vector_load %arg14[%parallel_loop3A_185] {strides = array<i32>} : memref<512xf32, #tpu.memory_space<vmem>>, vector<16xf32>,
          tpu.vector_store %arg14[%parallel_loop3A_185], %parallel_loop3A_182 {strides = array<i32>} : memref<512xf32, #tpu.memory_space<vmem>>, vector<16xf32>,
        } {sc.loop_unroll_factor = 2 : i64, sc.parallel_access}
        %scan3A_153 = arith.constant 0 : i32
        %scan3A_154 = arith.constant 2 : i32
        %scan3A_155 = arith.addi %scan3A_153, %scan3A_154 : i32
        %scan3A_156 = arith.constant 1 : i32
        %scan3A_157 = scf.for %scan3A_168 = %scan3A_153 to %scan3A_155 step %scan3A_156 iter_args(%scan3A_169 = %cond3A_124#1) -> (f32)  : i32 {
          %mul3A_170 = arith.constant 16 : i32
          %mul3A_171 = vector.broadcast %mul3A_170 : i32 to vector<16xi32>
          %mul3A_172 = arith.muli %iota3A, %mul3A_171 : vector<16xi32>
          %mul3A_173 = arith.constant 256 : i32
          %mul3A_174 = arith.muli %scan3A_168, %mul3A_173 : i32
          %add3A_175 = arith.constant 15 : i32
          %add3A_176 = arith.addi %mul3A_174, %add3A_175 : i32
          %add3A_177 = vector.broadcast %add3A_176 : i32 to vector<16xi32>
          %add3A_178 = arith.addi %mul3A_172, %add3A_177 : vector<16xi32>
          %gather3A = tpu.vector_load_idx %arg14[%add3A_178] : memref<512xf32, #tpu.memory_space<vmem>>[vector<16xi32>], vector<16xf32>,
          %mul3A_179 = arith.constant 256 : i32
          %mul3A_180 = vector.broadcast %mul3A_179 : i32 to vector<16xi32>
          %mul3A_181 = arith.muli %iota3A, %mul3A_180 : vector<16xi32>
          %mul3A_182 = arith.constant 4096 : i32
          %mul3A_183 = arith.muli %scan3A_168, %mul3A_182 : i32
          %add3A_184 = arith.constant 255 : i32
          %add3A_185 = arith.addi %mul3A_183, %add3A_184 : i32
          %add3A_186 = vector.broadcast %add3A_185 : i32 to vector<16xi32>
          %add3A_187 = arith.addi %mul3A_181, %add3A_186 : vector<16xi32>
          %gather3A_188 = tpu.vector_load_idx %arg13[%add3A_187] : memref<8192xf32, #tpu.memory_space<vmem>>[vector<16xi32>], vector<16xf32>,
          %add3A_189 = arith.addf %gather3A, %gather3A_188 : vector<16xf32>
          %broadcast_in_dim3A_190 = arith.constant true
          %broadcast_in_dim3A_191 = vector.broadcast %broadcast_in_dim3A_190 : i1 to vector<16xi1>
          %masked_cumsum3A = tpu.scan <sum>, %add3A_189 masked %broadcast_in_dim3A_191 : vector<16xf32>, vector<16xi1> -> vector<16xf32>
          %add3A_192 = vector.broadcast %scan3A_169 : f32 to vector<16xf32>
          %add3A_193 = arith.addf %masked_cumsum3A, %add3A_192 : vector<16xf32>
          %sub3A_194 = arith.subf %add3A_193, %add3A_189 : vector<16xf32>
          %mul3A_195 = arith.constant 16 : i32
          %mul3A_196 = arith.muli %scan3A_168, %mul3A_195 : i32
          %swap3A = arith.index_cast %mul3A_196 : i32 to index
          %swap3A_197 = tpu.vector_load %arg15[%swap3A] {strides = array<i32>} : memref<32xf32, #tpu.memory_space<vmem>>, vector<16xf32>,
          tpu.vector_store %arg15[%swap3A], %sub3A_194 {strides = array<i32>} : memref<32xf32, #tpu.memory_space<vmem>>, vector<16xf32>,
          %slice3A_198 = vector.extract_strided_slice %add3A_193 {offsets = [15], sizes = [1], strides = [1]} : vector<16xf32> to vector<1xf32>
          %squeeze3A_199 = vector.extract %slice3A_198[0] : f32 from vector<1xf32>
          scf.yield %squeeze3A_199 : f32
        }
        %scan3A_158 = arith.constant 2 : i32
        %eq3A = arith.cmpi eq, %add3A_115, %select_n3A : i32
        %convert_element_type3A_159 = arith.extui %eq3A : i1 to i32
        %cond3A_160 = arith.constant 0 : i32
        %cond3A_161 = arith.cmpi ne, %convert_element_type3A_159, %cond3A_160 : i32
        scf.if %cond3A_161 {
          %mul3A_168 = arith.constant 0 : i32
          %mul3A_169 = vector.broadcast %mul3A_168 : i32 to vector<16xi32>
          %mul3A_170 = arith.muli %iota3A, %mul3A_169 : vector<16xi32>
          %sub3A_171 = arith.constant 1 : i32
          %sub3A_172 = arith.subi %squeeze3A, %sub3A_171 : i32
          %sub3A_173 = arith.subi %sub3A_172, %mul3A_147 : i32
          %jit3A_174 = arith.constant 0 : i32
          %jit3A_175 = arith.constant 8191 : i32
          %max3A_176 = arith.maxsi %jit3A_174, %sub3A_173 : i32
          %min3A = arith.minsi %jit3A_175, %max3A_176 : i32
          %add3A_177 = vector.broadcast %min3A : i32 to vector<16xi32>
          %add3A_178 = arith.addi %mul3A_170, %add3A_177 : vector<16xi32>
          %gather3A = tpu.vector_load_idx %arg13[%add3A_178] : memref<8192xf32, #tpu.memory_space<vmem>>[vector<16xi32>], vector<16xf32>,
          %shift_right_logical3A = arith.constant 4 : i32
          %shift_right_logical3A_179 = vector.broadcast %shift_right_logical3A : i32 to vector<16xi32>
          %shift_right_logical3A_180 = arith.shrui %add3A_178, %shift_right_logical3A_179 : vector<16xi32>
          %gather3A_181 = tpu.vector_load_idx %arg14[%shift_right_logical3A_180] : memref<512xf32, #tpu.memory_space<vmem>>[vector<16xi32>], vector<16xf32>,
          %add3A_182 = arith.addf %gather3A, %gather3A_181 : vector<16xf32>
          %shift_right_logical3A_183 = arith.constant 8 : i32
          %shift_right_logical3A_184 = vector.broadcast %shift_right_logical3A_183 : i32 to vector<16xi32>
          %shift_right_logical3A_185 = arith.shrui %add3A_178, %shift_right_logical3A_184 : vector<16xi32>
          %gather3A_186 = tpu.vector_load_idx %arg15[%shift_right_logical3A_185] : memref<32xf32, #tpu.memory_space<vmem>>[vector<16xi32>], vector<16xf32>,
          %add3A_187 = arith.addf %add3A_182, %gather3A_186 : vector<16xf32>
          %eq3A_188 = arith.constant 15 : i32
          %eq3A_189 = vector.broadcast %eq3A_188 : i32 to vector<16xi32>
          %eq3A_190 = arith.cmpi eq, %iota3A, %eq3A_189 : vector<16xi32>
          %gt3A = arith.cmpi sgt, %squeeze3A, %mul3A_147 : i32
          %and3A_191 = vector.broadcast %gt3A : i1 to vector<16xi1>
          %and3A_192 = arith.andi %eq3A_190, %and3A_191 : vector<16xi1>
          %jit3A_193 = arith.constant 0.000000e+00 : f32
          %broadcast_in_dim3A_194 = vector.broadcast %jit3A_193 : f32 to vector<16xf32>
          %select_n3A_195 = arith.select %and3A_192, %add3A_187, %broadcast_in_dim3A_194 : vector<16xi1>, vector<16xf32>
          %swap3A = arith.constant 0 : index
          %swap3A_196 = tpu.vector_load %arg16[%swap3A] {strides = array<i32>} : memref<2064xf32, #tpu.memory_space<vmem>>, vector<16xf32>,
          tpu.vector_store %arg16[%swap3A], %select_n3A_195 {strides = array<i32>} : memref<2064xf32, #tpu.memory_space<vmem>>, vector<16xf32>,
        } else {
        }
        %add3A_162 = arith.constant 8192 : i32
        %add3A_163 = arith.addi %mul3A_147, %add3A_162 : i32
        %while3A_164 = arith.constant false
        %while3A_165:2 = scf.while (%while3A_168 = %cond3A_124#0, %while3A_169 = %while3A_164) : (i32, i1) -> (i32, i1) {
          %not3A = arith.constant true
          %not3A_170 = arith.xori %while3A_169, %not3A : i1
          %lt3A_171 = arith.constant 128 : i32
          %lt3A_172 = arith.cmpi slt, %while3A_168, %lt3A_171 : i32
          %and3A_173 = arith.andi %not3A_170, %lt3A_172 : i1
          scf.condition(%and3A_173) %while3A_168, %while3A_169 : i32, i1
        } do {
        ^bb0(%while3A_168: i32, %while3A_169: i1):
          %mul3A_170 = arith.constant 16 : i32
          %mul3A_171 = arith.muli %while3A_168, %mul3A_170 : i32
          %get3A_172 = arith.index_cast %mul3A_171 : i32 to index
          %get3A_173 = tpu.vector_load %arg8[%get3A_172] {strides = array<i32>} : memref<2064xi32, #tpu.memory_space<vmem>>, vector<16xi32>,
          %slice3A_174 = vector.extract_strided_slice %get3A_173 {offsets = [1], sizes = [1], strides = [1]} : vector<16xi32> to vector<1xi32>
          %squeeze3A_175 = vector.extract %slice3A_174[0] : i32 from vector<1xi32>
          %le3A = arith.cmpi sle, %squeeze3A_175, %add3A_163 : i32
          %convert_element_type3A_176 = arith.extui %le3A : i1 to i32
          %cond3A_177 = arith.constant 0 : i32
          %cond3A_178 = arith.cmpi ne, %convert_element_type3A_176, %cond3A_177 : i32
          scf.if %cond3A_178 {
            %mul3A_183 = arith.constant 16 : i32
            %mul3A_184 = arith.muli %while3A_168, %mul3A_183 : i32
            %add3A_185 = arith.constant 1 : i32
            %add3A_186 = arith.addi %add3A_185, %mul3A_184 : i32
            %add3A_187 = vector.broadcast %add3A_186 : i32 to vector<16xi32>
            %add3A_188 = arith.addi %iota3A, %add3A_187 : vector<16xi32>
            %gather3A = tpu.vector_load_idx %arg8[%add3A_188] : memref<2064xi32, #tpu.memory_space<vmem>>[vector<16xi32>], vector<16xi32>,
            %gt3A = vector.broadcast %mul3A_147 : i32 to vector<16xi32>
            %gt3A_189 = arith.cmpi sgt, %gather3A, %gt3A : vector<16xi32>
            %le3A_190 = vector.broadcast %add3A_163 : i32 to vector<16xi32>
            %le3A_191 = arith.cmpi sle, %gather3A, %le3A_190 : vector<16xi32>
            %and3A_192 = arith.andi %gt3A_189, %le3A_191 : vector<16xi1>
            %sub3A_193 = arith.constant 1 : i32
            %sub3A_194 = vector.broadcast %sub3A_193 : i32 to vector<16xi32>
            %sub3A_195 = arith.subi %gather3A, %sub3A_194 : vector<16xi32>
            %sub3A_196 = vector.broadcast %mul3A_147 : i32 to vector<16xi32>
            %sub3A_197 = arith.subi %sub3A_195, %sub3A_196 : vector<16xi32>
            %jit3A_198 = arith.constant 0 : i32
            %jit3A_199 = arith.constant 8191 : i32
            %max3A_200 = vector.broadcast %jit3A_198 : i32 to vector<16xi32>
            %max3A_201 = arith.maxsi %max3A_200, %sub3A_197 : vector<16xi32>
            %min3A = vector.broadcast %jit3A_199 : i32 to vector<16xi32>
            %min3A_202 = arith.minsi %min3A, %max3A_201 : vector<16xi32>
            %gather3A_203 = tpu.vector_load_idx %arg13[%min3A_202] : memref<8192xf32, #tpu.memory_space<vmem>>[vector<16xi32>], vector<16xf32>,
            %shift_right_logical3A = arith.constant 4 : i32
            %shift_right_logical3A_204 = vector.broadcast %shift_right_logical3A : i32 to vector<16xi32>
            %shift_right_logical3A_205 = arith.shrui %min3A_202, %shift_right_logical3A_204 : vector<16xi32>
            %gather3A_206 = tpu.vector_load_idx %arg14[%shift_right_logical3A_205] : memref<512xf32, #tpu.memory_space<vmem>>[vector<16xi32>], vector<16xf32>,
            %add3A_207 = arith.addf %gather3A_203, %gather3A_206 : vector<16xf32>
            %shift_right_logical3A_208 = arith.constant 8 : i32
            %shift_right_logical3A_209 = vector.broadcast %shift_right_logical3A_208 : i32 to vector<16xi32>
            %shift_right_logical3A_210 = arith.shrui %min3A_202, %shift_right_logical3A_209 : vector<16xi32>
            %gather3A_211 = tpu.vector_load_idx %arg15[%shift_right_logical3A_210] : memref<32xf32, #tpu.memory_space<vmem>>[vector<16xi32>], vector<16xf32>,
            %add3A_212 = arith.addf %add3A_207, %gather3A_211 : vector<16xf32>
            %mul3A_213 = arith.constant 16 : i32
            %mul3A_214 = arith.muli %while3A_168, %mul3A_213 : i32
            %add3A_215 = arith.constant 16 : i32
            %add3A_216 = arith.addi %add3A_215, %mul3A_214 : i32
            %get3A_217 = arith.index_cast %add3A_216 : i32 to index
            %get3A_218 = tpu.vector_load %arg16[%get3A_217] {strides = array<i32>} : memref<2064xf32, #tpu.memory_space<vmem>>, vector<16xf32>,
            %select_n3A_219 = arith.select %and3A_192, %add3A_212, %get3A_218 : vector<16xi1>, vector<16xf32>
            %mul3A_220 = arith.constant 16 : i32
            %mul3A_221 = arith.muli %while3A_168, %mul3A_220 : i32
            %add3A_222 = arith.constant 16 : i32
            %add3A_223 = arith.addi %add3A_222, %mul3A_221 : i32
            %swap3A = arith.index_cast %add3A_223 : i32 to index
            %swap3A_224 = tpu.vector_load %arg16[%swap3A] {strides = array<i32>} : memref<2064xf32, #tpu.memory_space<vmem>>, vector<16xf32>,
            tpu.vector_store %arg16[%swap3A], %select_n3A_219 {strides = array<i32>} : memref<2064xf32, #tpu.memory_space<vmem>>, vector<16xf32>,
          } else {
          }
          %add3A_179 = arith.constant 1 : i32
          %add3A_180 = arith.addi %while3A_168, %add3A_179 : i32
          %select_n3A_181 = arith.select %le3A, %add3A_180, %while3A_168 : i32
          %not3A = arith.constant true
          %not3A_182 = arith.xori %le3A, %not3A : i1
          scf.yield %select_n3A_181, %not3A_182 : i32, i1
        }
        %sub3A_166 = arith.constant 1 : i32
        %sub3A_167 = arith.subi %while3A_165#0, %sub3A_166 : i32
        %max3A = arith.maxsi %cond3A_124#0, %sub3A_167 : i32
        scf.yield %max3A, %scan3A_157 : i32, f32
      } else {
        scf.yield %cond3A_124#0, %cond3A_124#1 : i32, f32
      }
      %add3A_140 = arith.constant 2 : i32
      %add3A_141 = arith.addi %add3A_115, %add3A_140 : i32
      %lt3A_142 = arith.cmpi slt, %add3A_141, %select_n3A_56 : i32
      %convert_element_type3A_143 = arith.extui %lt3A_142 : i1 to i32
      %cond3A_144 = arith.constant 0 : i32
      %cond3A_145 = arith.cmpi ne, %convert_element_type3A_143, %cond3A_144 : i32
      scf.if %cond3A_145 {
        %mul3A_146 = arith.constant 8192 : i32
        %mul3A_147 = arith.muli %add3A_141, %mul3A_146 : i32
        %dma_start3A = tpu.memref_slice %arg2[%mul3A_147] : memref<4194304xf32, #tpu.memory_space<hbm>> -> memref<8192xf32, #tpu.memory_space<hbm>>
        %dma_start3A_148 = tpu.memref_slice %arg2[%mul3A_147] : memref<4194304xf32, #tpu.memory_space<hbm>> -> memref<8192xf32, #tpu.memory_space<hbm>>
        tpu.enqueue_dma source(%dma_start3A_148 : memref<8192xf32, #tpu.memory_space<hbm>>) target(%arg11 : memref<8192xf32, #tpu.memory_space<vmem>>) target_semaphore(%arg19 : memref<!tpu.dma_semaphore, #tpu.memory_space<semaphore_mem>>)
        %dma_start3A_149 = tpu.memref_slice %arg4[%mul3A_147] : memref<4194304xi32, #tpu.memory_space<hbm>> -> memref<8192xi32, #tpu.memory_space<hbm>>
        %dma_start3A_150 = tpu.memref_slice %arg4[%mul3A_147] : memref<4194304xi32, #tpu.memory_space<hbm>> -> memref<8192xi32, #tpu.memory_space<hbm>>
        tpu.enqueue_dma source(%dma_start3A_150 : memref<8192xi32, #tpu.memory_space<hbm>>) target(%arg12 : memref<8192xi32, #tpu.memory_space<vmem>>) target_semaphore(%arg19 : memref<!tpu.dma_semaphore, #tpu.memory_space<semaphore_mem>>)
      } else {
      }
      scf.yield %cond3A_139#0, %cond3A_139#1 : i32, f32
    }
    %scan3A_103 = arith.constant 0 : i32
    %scan3A_104 = arith.constant 128 : i32
    %scan3A_105 = arith.addi %scan3A_103, %scan3A_104 : i32
    %scan3A_106 = arith.constant 1 : i32
    scf.for %scan3A_108 = %scan3A_103 to %scan3A_105 step %scan3A_106  : i32 {
      %mul3A_109 = arith.constant 16 : i32
      %mul3A_110 = arith.muli %scan3A_108, %mul3A_109 : i32
      %add3A_111 = arith.constant 0 : i32
      %add3A_112 = arith.addi %add3A_111, %mul3A_110 : i32
      %add3A_113 = arith.constant 16 : i32
      %add3A_114 = arith.addi %add3A_113, %add3A_112 : i32
      %get3A_115 = arith.index_cast %add3A_114 : i32 to index
      %get3A_116 = tpu.vector_load %arg16[%get3A_115] {strides = array<i32>} : memref<2064xf32, #tpu.memory_space<vmem>>, vector<16xf32>,
      %add3A_117 = arith.constant 15 : i32
      %add3A_118 = arith.addi %add3A_117, %add3A_112 : i32
      %add3A_119 = vector.broadcast %add3A_118 : i32 to vector<16xi32>
      %add3A_120 = arith.addi %iota3A, %add3A_119 : vector<16xi32>
      %gather3A = tpu.vector_load_idx %arg16[%add3A_120] : memref<2064xf32, #tpu.memory_space<vmem>>[vector<16xi32>], vector<16xf32>,
      %sub3A_121 = arith.subf %get3A_116, %gather3A : vector<16xf32>
      %swap3A = arith.index_cast %add3A_112 : i32 to index
      %swap3A_122 = tpu.vector_load %arg17[%swap3A] {strides = array<i32>} : memref<2048xf32, #tpu.memory_space<vmem>>, vector<16xf32>,
      tpu.vector_store %arg17[%swap3A], %sub3A_121 {strides = array<i32>} : memref<2048xf32, #tpu.memory_space<vmem>>, vector<16xf32>,
    }
    %scan3A_107 = arith.constant 128 : i32
    "tpu.region"() ({
      %run_scoped3A = tpu.sem_alloc : memref<!tpu.dma_semaphore, #tpu.memory_space<semaphore_mem>>
      %dma_start3A = tpu.memref_slice %arg6[%mul3A_2] : memref<65536xf32, #tpu.memory_space<hbm>> -> memref<2048xf32, #tpu.memory_space<hbm>>
      %dma_start3A_108 = tpu.memref_slice %arg6[%mul3A_2] : memref<65536xf32, #tpu.memory_space<hbm>> -> memref<2048xf32, #tpu.memory_space<hbm>>
      tpu.enqueue_dma source(%arg17 : memref<2048xf32, #tpu.memory_space<vmem>>) target(%dma_start3A_108 : memref<2048xf32, #tpu.memory_space<hbm>>) target_semaphore(%run_scoped3A : memref<!tpu.dma_semaphore, #tpu.memory_space<semaphore_mem>>)
      %dma_wait3A = tpu.memref_slice %arg6[%mul3A_2] : memref<65536xf32, #tpu.memory_space<hbm>> -> memref<2048xf32, #tpu.memory_space<hbm>>
      %dma_wait3A_109 = tpu.memref_slice %arg6[%mul3A_2] : memref<65536xf32, #tpu.memory_space<hbm>> -> memref<2048xf32, #tpu.memory_space<hbm>>
      tpu.wait_dma2 semaphore(%run_scoped3A : memref<!tpu.dma_semaphore, #tpu.memory_space<semaphore_mem>>) src(%arg17 : memref<2048xf32, #tpu.memory_space<vmem>>) dst(%dma_wait3A_109 : memref<2048xf32, #tpu.memory_space<hbm>>)
      tpu.yield
    }) : () -> ()
    return
  }
}

</mosaic_0001>

<sc_bundles>
// kernel: kernel.3.cloned.1.call-start
scs
__scs_entry_jumppad:
0x0: {  	(pc) =	sbr.rel $0x88, $3  }
0x1: {  	(tag) =	ssettag $0x0;
	lr =	simm.s32 $0x1  }
0x2: {  	[smem:$0x3F9D] =	sst lr;
	_ =	strace $0xD0000000  }
0x3: {  	_ = 	snop  }
0x4: {  	_ = 	snop  }
0x5: {  	_ = 	snop  }
0x6: {  	_ = 	snop  }
0x7: {  	_ = 	snop  }
__scs_overlays_trampoline_lowered:
0x8: {  	[smem:$0x3FAC] =	sst s0  }
0x9: {  	[smem:$0x3FAD] =	sst s1  }
0xa: {  	[smem:$0x3FAE] =	sst s2  }
0xb: {  	[smem:$0x3FAF] =	sst s3  }
0xc: {  	[smem:$0x3FB0] =	sst s4  }
0xd: {  	[smem:$0x3FB1] =	sst s5  }
0xe: {  	[smem:$0x3FB2] =	sst s6  }
0xf: {  	[smem:$0x3FB3] =	sst s7  }
0x10: {  	[smem:$0x3FB4] =	sst s8  }
0x11: {  	[smem:$0x3FB5] =	sst s9;
	s0 =	simm.s32 @!p0 $0x0  }
0x12: {  	s1 =	sld [smem:$0x3F9B];
	s0 =	simm.s32 @p0 $0x1  }
0x13: {  	[smem:$0x3FB6] =	sst s0;
	s0 =	simm.s32 @!p1 $0x0  }
0x14: {  	s2 =	sld [smem:$0x3F9A];
	s0 =	simm.s32 @p1 $0x1  }
0x15: {  	[smem:$0x3FB7] =	sst s0;
	s0 =	simm.s32 @!p2 $0x0  }
0x16: {  	s3 =	sld [smem:$0x3FDB];
	s0 =	simm.s32 @p2 $0x1  }
0x17: {  	s4 =	simm.s32 $0x1BF5;
	[smem:$0x3FB9] =	sst s0  }
0x18: {  	s0 =	sld [smem:$0x3F9C];
	_ =	swait.ge [sflag:s4], $0x0  }
0x19: {  	s7 =	sld [smem:$0x3F9D]  }
0x1a: {  	s8 =	sadd.s32 $0xFFFFE003, lr  }
0x1b: {  	s9 =	sadd.s32 $0xFFFFFEF7, lr;
	s5 =	simm.s32 $0xFFFFFFFF;
	p2 =	slt.u32 s8, $0xFFFFF086  }
0x1c: {  	p1 =	slt.u32 s9, $0xF7A;
	s5 =	simm.s32 @!p2 $0x0  }
0x1d: {  	s5 =	simm.s32 @p1 $0x1;
	p0 =	seq.s32 s7, s2  }
0x1e: {  	s7 =	smul.u32 @!p0 $0xF7A, s2;
	p2 =	seq.s32 @!p0 s5, $0x0  }
0x1f: {  	s9 =	smul.u32 $0xF7A, s1;
	s8 =	simm.s32 @!p0 $0x1BF5;
	p2 =	por !p2, p0  }
0x20: {  	[sflag:s8] =	ssyncset.s32 @!p0 $0xFFFFF086;
	s6 =	sadd.s32 @!p0 s3, s7;
	s7 =	simm.s32 @!p0 $0x108  }
0x21: {  	s3 =	sadd.s32 s3, s9;
	s6 =	sadd.s32 @!p0 $0x88, s6;
	s7 =	simm.s32 @p2 $0x1082  }
0x22: {  	[simem:s7], [sflag:s8] =	dma.local @!p0 [hbm:s6], $0xF7A  }
0x23: {  	s9 =	sor.u32 $0xD0000000, s2;
	s6 =	simm.s32 $0x108;
	_ =	swait.ge @!p0 [sflag:s8], $0x0  }
0x24: {  	s3 =	sadd.s32 $0x88, s3;
	s6 =	simm.s32 @!p1 $0x1082;
	[sflag:s4] =	ssyncset.s32 $0xFFFFF086  }
0x25: {  	[simem:s6], [sflag:s4] =	dma.local [hbm:s3], $0xF7A  }
0x26: {  	[smem:$0x3F9D] =	sst s1;
	(tag) =	ssettag s2;
	_ =	strace s9  }
0x27: {  	s1 =	sld [smem:$0x3FAD]  }
0x28: {  	s2 =	sld [smem:$0x3FAE]  }
0x29: {  	s4 =	sld [smem:$0x3FB0]  }
0x2a: {  	p0 =	seq.s32 s5, $0x0;
	s5 =	sld [smem:$0x3FB1]  }
0x2b: {  	s6 =	sld [smem:$0x3FB2]  }
0x2c: {  	s7 =	sld [smem:$0x3FB3]  }
0x2d: {  	s3 =	simm.s32 $0x108;
	s8 =	sld [smem:$0x3FB4]  }
0x2e: {  	s3 =	simm.s32 @!p0 $0x1082;
	s9 =	sld [smem:$0x3FB5]  }
0x2f: {  	lr =	sadd.s32 s0, s3;
	s0 =	sld [smem:$0x3FAC]  }
0x30: {  	s3 =	sld [smem:$0x3FAF]  }
0x31: {  	[smem:$0x3FB8] =	sst s10  }
0x32: {  	s10 =	sld [smem:$0x3FB6];
	_ =	sdelay $0x3  }
0x33: {  	p0 =	seq.s32 s10, $0x1;
	s10 =	sld [smem:$0x3FB8];
	_ =	sdelay $0x3  }
0x34: {  	[smem:$0x3FB8] =	sst s10  }
0x35: {  	s10 =	sld [smem:$0x3FB7];
	_ =	sdelay $0x3  }
0x36: {  	p1 =	seq.s32 s10, $0x1;
	s10 =	sld [smem:$0x3FB8];
	_ =	sdelay $0x3  }
0x37: {  	[smem:$0x3FB8] =	sst s10  }
0x38: {  	s10 =	sld [smem:$0x3FB9]  }
0x39: {  	_ = 	snop;
	(pc) =	sbr.ind lr, $3  }
0x3a: {  	_ = 	snop  }
0x3b: {  	_ = 	snop  }
0x3c: {  	p2 =	seq.s32 s10, $0x1;
	s10 =	sld [smem:$0x3FB8]  }
0x3d: {  	_ =	shalt  }
0x3e: {  	_ =	shalt  }
0x3f: {  	_ =	shalt  }
0x40: {  	_ =	shalt  }
0x41: {  	_ =	shalt  }
0x42: {  	_ =	shalt  }
0x43: {  	_ =	shalt  }
0x44: {  	_ =	shalt  }
0x45: {  	_ =	shalt  }
0x46: {  	_ =	shalt  }
0x47: {  	_ =	shalt  }
0x48: {  	_ =	shalt  }
0x49: {  	_ =	shalt  }
0x4a: {  	_ =	shalt  }
0x4b: {  	_ =	shalt  }
0x4c: {  	_ =	shalt  }
0x4d: {  	_ =	shalt  }
0x4e: {  	_ =	shalt  }
0x4f: {  	_ =	shalt  }
0x50: {  	_ =	shalt  }
0x51: {  	_ =	shalt  }
0x52: {  	_ =	shalt  }
0x53: {  	_ =	shalt  }
0x54: {  	_ =	shalt  }
0x55: {  	_ =	shalt  }
0x56: {  	_ =	shalt  }
0x57: {  	_ =	shalt  }
0x58: {  	_ =	shalt  }
0x59: {  	_ =	shalt  }
0x5a: {  	_ =	shalt  }
0x5b: {  	_ =	shalt  }
0x5c: {  	_ =	shalt  }
0x5d: {  	_ =	shalt  }
0x5e: {  	_ =	shalt  }
0x5f: {  	_ =	shalt  }
0x60: {  	_ =	shalt  }
0x61: {  	_ =	shalt  }
0x62: {  	_ =	shalt  }
0x63: {  	_ =	shalt  }
0x64: {  	_ =	shalt  }
0x65: {  	_ =	shalt  }
0x66: {  	_ =	shalt  }
0x67: {  	_ =	shalt  }
0x68: {  	_ =	shalt  }
0x69: {  	_ =	shalt  }
0x6a: {  	_ =	shalt  }
0x6b: {  	_ =	shalt  }
0x6c: {  	_ =	shalt  }
0x6d: {  	_ =	shalt  }
0x6e: {  	_ =	shalt  }
0x6f: {  	_ =	shalt  }
0x70: {  	_ =	shalt  }
0x71: {  	_ =	shalt  }
0x72: {  	_ =	shalt  }
0x73: {  	_ =	shalt  }
0x74: {  	_ =	shalt  }
0x75: {  	_ =	shalt  }
0x76: {  	_ =	shalt  }
0x77: {  	_ =	shalt  }
0x78: {  	_ =	shalt  }
0x79: {  	_ =	shalt  }
0x7a: {  	_ =	shalt  }
0x7b: {  	_ =	shalt  }
0x7c: {  	_ =	shalt  }
0x7d: {  	_ =	shalt  }
0x7e: {  	_ =	shalt  }
0x7f: {  	_ =	shalt  }
0x80: {  	_ =	shalt  }
0x81: {  	_ =	shalt  }
0x82: {  	_ =	shalt  }
0x83: {  	_ =	shalt  }
0x84: {  	_ =	shalt  }
0x85: {  	_ =	shalt  }
0x86: {  	_ =	shalt  }
0x87: {  	_ =	shalt  }
.Lfunc_end0:
.L_simem_size_0:
called_computation_lowered:
.L_overlay_start_0:
0x88: {  	s2 =	sld [smem:$0x3FD9]  }
0x89: {  	s3 =	sld [smem:$0x3FFE];
	_ =	sdelay $0x1  }
0x8a: {  	s1 =	srdreg.scid  }
0x8b: {  	s0 =	sand.u32 $0x1, s1  }
0x8c: {  	s17 =	sshll.u32 s0, $0xA;
	s2 =	sadd.s32 s3, s2  }
0x8d: {  	s2 =	sadd.s32 s2, s17  }
0x8e: {  	[smem:$0x3FC4] =	sst s2  }
0x8f: {  	_ = 	snop  }
0x90: {  	s2 =	sld [smem:$0x3FC9]  }
0x91: {  	s18 =	sld [smem:$0x3FC8]  }
0x92: {  	s4 =	sld [smem:$0x3FC7]  }
0x93: {  	s5 =	sld [smem:$0x3FD0];
	(tm) =	ssettm $0x1  }
0x94: {  	s6 =	sld [smem:$0x3FFB];
	_ =	sdelay $0x3  }
0x95: {  	_ =	strace s6  }
0x96: {  	s6 =	sld [smem:$0x3FFC];
	_ =	sdelay $0x3  }
0x97: {  	_ =	strace s6  }
0x98: {  	s6 =	sld [smem:$0x3FFD];
	_ =	sdelay $0x3  }
0x99: {  	_ =	strace s6  }
0x9a: {  	_ =	strace $0x8FFFFFFF  }
0x9b: {  	s19 =	sld [smem:$0x3FDB];
	_ =	sdelay $0x1  }
0x9c: {  	s7 =	simm.s32 $_scs_section_size  }
0x9d: {  	s8 =	simm.s32 $_size__tile_overlayer_lowered;
	s9 =	simm.s32 $_tile_overlayer_lowered  }
0x9e: {  	s22 =	simm.s32 $0x1BFF;
	s21 =	sshll.u32 s9, $0x1;
	s6 =	sadd.s32 s7, s19  }
0x9f: {  	s10 =	simm.s32 $0x0;
	s20 =	sshll.u32 s8, $0x1;
	s8 =	sadd.s32 s21, s6  }
0xa0: {  	[timem:s10], [sflag:s22] =	dma.local [hbm:s8], s20  }
0xa1: {  	_ =	swait.ge [sflag:s22], s20  }
0xa2: {  	s7 =	ssub.s32 $0x0, s20;
	[sflag:s22] =	ssyncset.done $0x0  }
0xa3: {  	[sflag:s22] =	ssyncadd.s32 s7;
	_ =	sdelay $0x1  }
0xa4: {  	s23 =	simm.s32 $0x1B8B  }
0xa5: {  	_ =	swait.ge [sflag:s23], $0x1  }
0xa6: {  	[sflag:s23] =	ssyncset.done $0x0  }
0xa7: {  	s25 =	simm.s32 $0x1B8E;
	s24 =	sld [smem:$0x3FFE];
	[sflag:s23] =	ssyncadd.s32 $0xFFFFFFFF  }
0xa8: {  	s26 =	simm.s32 $execute0_lowered;
	[smem:$0x3FD2] =	sst s25  }
0xa9: {  	s8 =	sshll.u32 s26, $0x1;
	_ =	strace $0x80000046;
	[dreg:$0x1] =	wrdreg $0xFFFFFFFF  }
0xaa: {  	s28 =	simm.s32 $_size_execute0_lowered;
	s6 =	sadd.s32 s6, s8;
	[dreg:$0x0] =	wrdreg $0x0  }
0xab: {  	s8 =	sshll.u32 s28, $0x1;
	[dreg:$0x2] =	wrdreg s6  }
0xac: {  	[dreg:$0x3] =	wrdreg s8  }
0xad: {  	[dreg:$0x4] =	wrdreg $0xC0  }
0xae: {  	_ =	task [dreg:s10], $0x5FFFF  }
0xaf: {  	[dreg:$0x1] =	wrdreg $0xFFFFFFFF  }
0xb0: {  	[dreg:$0x0] =	wrdreg $0x60  }
0xb1: {  	[dreg:$0x2] =	wrdreg s2  }
0xb2: {  	[dreg:$0x3] =	wrdreg s18  }
0xb3: {  	[dreg:$0x4] =	wrdreg s4  }
0xb4: {  	[dreg:$0x5] =	wrdreg s24  }
0xb5: {  	[dreg:$0x6] =	wrdreg s5  }
0xb6: {  	[dreg:$0x7] =	wrdreg $0x9  }
0xb7: {  	_ =	task.clear_ibuf [dreg:s10], $0x8FFFF;
	_ =	strace $0x90000046  }
0xb8: {  	s29 =	simm.s32 $0x9;
	_ =	strace $0x80000048  }
0xb9: {  	_ =	swait.ge [sflag:s29], $0x1  }
0xba: {  	[sflag:s29] =	ssyncadd.s32 $0xFFFFFFFF  }
0xbb: {  	_ =	strace $0x90000048  }
0xbc: {  	_ =	sfence  }
0xbd: {  	s30 =	sld [smem:$0x0];
	_ =	sdelay $0x2  }
0xbe: {  	s31 =	sshll.u32 s1, $0xD;
	s1 =	sshrl.u32 s1, $0x2  }
0xbf: {  	s3 =	sand.u32 $0x4000, s31;
	s1 =	sadd.s32 s1, s30  }
0xc0: {  	s0 =	sor.u32 s3, s0;
	s1 =	sshll.u32 s1, $0x11  }
0xc1: {  	s0 =	sor.u32 s1, s0  }
0xc2: {  	s0 =	sadd.s32 $0x8F2B, s0  }
0xc3: {  	[sflag:s0] =	ssyncadd.remote.s32 $0x1  }
0xc4: {  	_ =	sfence.sel $0xFFFF  }
0xc5: {  	[dreg:$0x0] =	wrdreg $0xFFFFFFFF;
	(pc) =	sbr.abs _section_cstart, $3  }
0xc6: {  	[dreg:$0x1] =	wrdreg $0xFFFFFFFF  }
0xc7: {  	_ =	task.clear_ibuf [dreg:s10], $0x2FFFF;
	_ =	strace $0x9FFFFFFF  }
0xc8: {  	(tm) =	ssettm $0x7FFFFFFF  }
0xc9: {  	_ =	shalt  }
tec
execute0_lowered:
.L_overlay_start_1:
0x0: {  	(tag) =	ssettag $0x1  }
0x1: {  	s1 =	rddreg [dreg:$0x0]  }
0x2: {  	s3 =	rddreg [dreg:$0x2]  }
0x3: {  	s0 =	rddreg [dreg:$0x3]  }
0x4: {  	s2 =	rddreg [dreg:$0x4];
	s4 =	srdreg.scid  }
0x5: {  	s5 =	simm.s32 $0x0;
	s7 =	stileid.u32;
	s9 =	simm.s32 $0x3  }
0x6: {  	s10 =	simm.s32 $0x10000;
	s11 =	simm.s32 $0x1;
	s12 =	simm.s32 $0x18880  }
0x7: {  	s13 =	simm.s32 $0x1A880;
	s14 =	simm.s32 $0x2;
	s15 =	simm.s32 $0x1AB00  }
0x8: {  	v0 =	vlaneseq.u32;
	s16 =	simm.s32 $0x1B380;
	s17 =	simm.s32 $0x0;
	s4 =	sand.u32 $0x1, s4  }
0x9: {  	s7 =	sshll.u32 s7, $0x8;
	v1 =	vmul.u32 $0x10, v0;
	s6 =	sshll.u32 s4, $0xC;
	s4 =	ssub.s32 $0x2, s4  }
0xa: {  	[smem:$0x7FF] =	sst s5;
	v6 =	vmul.u32 $0x100, v0;
	s7 =	sor.u32 s7, s6;
	s31 =	sshrl.u32 s4, $0x1  }
0xb: {  	v2 =	vimm.f32 $0.0e+00;
	_ =	strace $0x80000047;
	v3 =	vor.u32 $0xF, v1;
	s0 =	sadd.s32 s7, s0;
	s4 =	ssub.s32 s4, s31  }
0xc: {  	v4 =	vor.u32 $0xFF, v6;
	v5 =	vor.u32 $0x10F, v1;
	v6 =	vor.u32 $0x10FF, v6;
	s7 =	sadd.s32 s2, s7;
	s6 =	sadd.s32 $0x400, s0;
	s8 =	smax.u32 s4, $0x1  }
.LBB2_1:
0xd: {  	s0 =	rddreg [dreg:$0x1]  }
0xe: {  	[tilespmem:s5], [sflag:$0x3] =	stream.linear.gather [hbm4b:s0+s5], $0x10000, $0x38;
	[tilespmem:$0x1BB80] =	vst v63  }
0xf: {  	_ =	swait.ge [sflag:s9], $0x10000  }
0x10: {  	[sflag:s9] =	ssyncset.done $0x0  }
0x11: {  	[sflag:s9] =	ssyncadd.s32 $0xFFFF0000  }
0x12: {  	[tilespmem:s10], [sflag:$0x3] =	stream.linear.gather [hbm4b:s6+s5], $0x808, $0x38;
	[tilespmem:$0x1BB80] =	vst v63  }
0x13: {  	_ =	swait.ge [sflag:s9], $0x808  }
0x14: {  	[sflag:s9] =	ssyncset.done $0x0  }
0x15: {  	[sflag:s9] =	ssyncadd.s32 $0xFFFFF7F8  }
0x16: {  	v7 =	vld [tilespmem:$0x10000]  }
0x17: {  	s2 =	simm.s32 $0x40;
	s0 =	simm.s32 $0x0;
	v8 =	vld [tilespmem:$0x10800]  }
.LBB2_2:
0x18: {  	p0 =	sne.s32 s2, $0x2000;
	[tilespmem:s0+$0x1AB00] =	vst v2;
	s0 =	smov.u32 s2;
	s2 =	sadd.s32 $0x40, s2  }
.Ltmp0:
0x19: {  	(pc) =	sbr.rel @p0 .LBB2_2-.Ltmp0, $2  }
0x1a: {  	_ =	sdelay $0x2  }
0x1b: {  	s0 =	sshra.s32 s0, $0x2  }
0x1c: {  	(v2sf) =	vpush v7, $0x0;
	_ =	sdelay $0x1  }
0x1d: {  	(v2sf) =	vpush v8, $0x0;
	_ =	sdelay $0xc  }
0x1e: {  	s18 =	spop (v2sf)  }
0x1f: {  	s20 =	simm.s32 $0x1;
	s21 =	simm.s32 $0x1;
	s2 =	sshra.s32 s18, $0x1F  }
0x20: {  	s4 =	spop (v2sf);
	s19 =	sand.u32 $0x1FFF, s18;
	p0 =	slt.s32 s18, $0x1  }
0x21: {  	s2 =	sshrl.u32 s2, $0x13;
	s4 =	sadd.s32 $0x1FFF, s4;
	p1 =	sne.s32 s19, $0x0  }
0x22: {  	s2 =	sadd.s32 s2, s18;
	s25 =	sand.u32 $0x1FFF, s4;
	p0 =	por !p0, !p1  }
0x23: {  	p4 =	slt.s32 s4, $0x1;
	s26 =	sshra.s32 s4, $0x1F;
	p2 =	sne.s32 s25, $0x0  }
0x24: {  	s2 =	sshra.s32 s2, $0xD;
	s19 =	sshrl.u32 s26, $0x13;
	p1 =	por !p4, !p2  }
0x25: {  	p0 =	por !p0, !p0;
	s4 =	sadd.s32 s19, s4;
	p1 =	por !p1, !p1  }
0x26: {  	s20 =	simm.s32 @!p0 $0x0;
	s4 =	sshra.s32 s4, $0xD;
	s21 =	simm.s32 @!p1 $0x0  }
0x27: {  	s19 =	ssub.s32 s2, s20;
	s20 =	ssub.s32 s4, s21  }
0x28: {  	p0 =	sle.s32 s20, s19  }
0x29: {  	s2 =	sshll.u32 @!p0 s19, $0xA  }
0x2a: {  	s2 =	sand.u32 @!p0 $0x1FFFFC00, s2  }
0x2b: {  	[tilespmem:s0+$0x1AB00] =	vst v2;
	s4 =	simm.s32 @!p0 $0x0;
	s21 =	simm.s32 @!p0 $0x10880;
	s0 =	sadd.s32 @!p0 s1, s2  }
0x2c: {  	[tilespmem:s21], [sflag:$0x1] =	stream.linear.gather @!p0 [hbm4b:s0+s4], $0x2000, $0x38;
	[tilespmem:$0x1BB80] =	vst v63  }
0x2d: {  	s0 =	sadd.s32 @!p0 s3, s2;
	s2 =	simm.s32 @!p0 $0x12880  }
0x2e: {  	[tilespmem:s2], [sflag:$0x1] =	stream.linear.gather @!p0 [hbm4b:s0+s4], $0x2000, $0x38;
	[tilespmem:$0x1BB80] =	vst v63  }
0x2f: {  	s0 =	sadd.s32 $0x1, s19  }
0x30: {  	s28 =	ssub.s32 s20, s19;
	p0 =	sge.s32 s0, s20  }
0x31: {  	s29 =	sadd.s32 $0x1, s28;
	s0 =	sshll.u32 @!p0 s0, $0xA  }
0x32: {  	p5 =	slt.s32 s28, $0x0;
	s30 =	sand.u32 $0x1, s29;
	s0 =	sand.u32 @!p0 $0x1FFFFC00, s0  }
0x33: {  	s4 =	simm.s32 @!p0 $0x0;
	s21 =	simm.s32 @!p0 $0x14880;
	s2 =	sadd.s32 @!p0 s1, s0  }
0x34: {  	[tilespmem:s21], [sflag:$0x2] =	stream.linear.gather @!p0 [hbm4b:s2+s4], $0x2000, $0x38;
	[tilespmem:$0x1BB80] =	vst v63  }
0x35: {  	p6 =	seq.s32 s30, $0x1;
	s0 =	sadd.s32 @!p0 s3, s0;
	s2 =	simm.s32 @!p0 $0x16880  }
0x36: {  	[tilespmem:s2], [sflag:$0x2] =	stream.linear.gather @!p0 [hbm4b:s0+s4], $0x2000, $0x38;
	[tilespmem:$0x1BB80] =	vst v63  }
0x37: {  	s31 =	sshrl.u32 s29, $0x1F;
	p0 =	por !p5, !p6  }
0x38: {  	s0 =	sadd.s32 s31, s29;
	s2 =	simm.s32 $0x1;
	p0 =	por !p0, !p0  }
0x39: {  	s0 =	sshra.s32 s0, $0x1;
	s2 =	simm.s32 @!p0 $0x0  }
0x3a: {  	s21 =	ssub.s32 s0, s2  }
0x3b: {  	p0 =	slt.s32 s21, $0x1  }
.Ltmp1:
0x3c: {  	_ = 	snop;
	(pc) =	sbr.rel @p0 .LBB2_26-.Ltmp1, $1  }
0x3d: {  	_ =	sdelay $0x3  }
.Ltmp2:
0x3e: {  	(pc) =	sbr.rel .LBB2_5-.Ltmp2, $2  }
0x3f: {  	_ =	sdelay $0x2  }
0x40: {  	s23 =	simm.s32 $0x0;
	s25 =	simm.f32 $0.0e+00;
	s22 =	simm.s32 $0x0  }
.LBB2_23:
0x41: {  	s0 =	smov.u32 @p1 s0  }
.LBB2_24:
0x42: {  	s0 =	sadd.s32 $0xFFFFFFFF, s0  }
0x43: {  	p0 =	sgt.s32 s23, s0  }
0x44: {  	s0 =	smov.u32 @p0 s23  }
0x45: {  	s23 =	smov.u32 s0  }
.LBB2_25:
0x46: {  	s0 =	sadd.s32 $0x3, s24  }
0x47: {  	p0 =	sge.s32 s0, s20  }
0x48: {  	s0 =	sshll.u32 @!p0 s0, $0xA  }
0x49: {  	s0 =	sand.u32 @!p0 $0x1FFFFC00, s0  }
0x4a: {  	s4 =	simm.s32 @!p0 $0x0;
	s24 =	simm.s32 @!p0 $0x14880;
	s2 =	sadd.s32 @!p0 s1, s0  }
0x4b: {  	[tilespmem:s24], [sflag:$0x2] =	stream.linear.gather @!p0 [hbm4b:s2+s4], $0x2000, $0x38;
	[tilespmem:$0x1BB80] =	vst v63  }
0x4c: {  	s22 =	sadd.s32 $0x1, s22;
	s0 =	sadd.s32 @!p0 s3, s0;
	s2 =	simm.s32 @!p0 $0x16880  }
0x4d: {  	[tilespmem:s2], [sflag:$0x2] =	stream.linear.gather @!p0 [hbm4b:s0+s4], $0x2000, $0x38;
	[tilespmem:$0x1BB80] =	vst v63  }
0x4e: {  	p0 =	sne.s32 s22, s21  }
.Ltmp3:
0x4f: {  	_ = 	snop;
	(pc) =	sbr.rel @!p0 .LBB2_26-.Ltmp3, $1  }
0x50: {  	_ =	sdelay $0x3  }
.LBB2_5:
0x51: {  	s0 =	sshll.u32 s22, $0x1  }
0x52: {  	s24 =	sadd.s32 s19, s0  }
0x53: {  	p0 =	sge.s32 s24, s20  }
.Ltmp4:
0x54: {  	_ = 	snop;
	(pc) =	sbr.rel @p0 .LBB2_15-.Ltmp4, $1  }
0x55: {  	_ =	sdelay $0x3  }
0x56: {  	_ =	swait.ge [sflag:s11], $0x2000  }
0x57: {  	[sflag:s11] =	ssyncset.done $0x0  }
0x58: {  	[sflag:s11] =	ssyncadd.s32 $0xFFFFE000  }
0x59: {  	_ =	swait.ge [sflag:s11], $0x2000  }
0x5a: {  	[sflag:s11] =	ssyncset.done $0x0  }
0x5b: {  	s0 =	simm.s32 $0x12900;
	[sflag:s11] =	ssyncadd.s32 $0xFFFFE000  }
0x5c: {  	v7 =	vld [tilespmem:s0+$0x70]  }
0x5d: {  	v8 =	vld [tilespmem:s0+$0xFFFFFF90]  }
0x5e: {  	v9 =	vld [tilespmem:s0+$0xFFFFFFA0]  }
0x5f: {  	v10 =	vld [tilespmem:s0+$0xFFFFFFB0]  }
0x60: {  	v11 =	vld [tilespmem:s0+$0xFFFFFFC0]  }
0x61: {  	v12 =	vld [tilespmem:s0+$0xFFFFFFD0]  }
0x62: {  	v13 =	vld [tilespmem:s0+$0xFFFFFFE0]  }
0x63: {  	s2 =	simm.s32 $0x10900;
	v14 =	vld [tilespmem:s0+$0xFFFFFFF0]  }
0x64: {  	v15 =	vld [tilespmem:s2+$0x70]  }
0x65: {  	v16 =	vld [tilespmem:s0+$0x0]  }
0x66: {  	v17 =	vld [tilespmem:s0+$0x10]  }
0x67: {  	v18 =	vld [tilespmem:s0+$0x20]  }
0x68: {  	v19 =	vld [tilespmem:s0+$0x30]  }
0x69: {  	v20 =	vld [tilespmem:s0+$0x40]  }
0x6a: {  	v21 =	vld [tilespmem:s0+$0x50]  }
0x6b: {  	v22 =	vld [tilespmem:s0+$0x60]  }
0x6c: {  	v23 =	vld [tilespmem:s0+$0xFFFFFF80]  }
0x6d: {  	v24 =	vld [tilespmem:s2+$0xFFFFFF80]  }
0x6e: {  	v25 =	vld [tilespmem:s2+$0xFFFFFF90]  }
0x6f: {  	v26 =	vld [tilespmem:s2+$0xFFFFFFA0]  }
0x70: {  	v27 =	vld [tilespmem:s2+$0xFFFFFFB0]  }
0x71: {  	v28 =	vld [tilespmem:s2+$0xFFFFFFC0]  }
0x72: {  	v29 =	vld [tilespmem:s2+$0xFFFFFFD0]  }
0x73: {  	v30 =	vld [tilespmem:s2+$0xFFFFFFE0]  }
0x74: {  	v31 =	vld [tilespmem:s2+$0xFFFFFFF0]  }
0x75: {  	v32 =	vld [tilespmem:s2+$0x0]  }
0x76: {  	v33 =	vld [tilespmem:s2+$0x10]  }
0x77: {  	v34 =	vld [tilespmem:s2+$0x20]  }
0x78: {  	v35 =	vld [tilespmem:s2+$0x30]  }
0x79: {  	v36 =	vld [tilespmem:s2+$0x40]  }
0x7a: {  	v37 =	vld [tilespmem:s2+$0x50]  }
0x7b: {  	s26 =	simm.s32 $0x12A00;
	v38 =	vld [tilespmem:s2+$0x60]  }
0x7c: {  	v39 =	vld [tilespmem:s26+$0x70]  }
0x7d: {  	v40 =	vld [tilespmem:s26+$0xFFFFFF90]  }
0x7e: {  	v41 =	vld [tilespmem:s26+$0xFFFFFFA0]  }
0x7f: {  	v42 =	vld [tilespmem:s26+$0xFFFFFFB0]  }
0x80: {  	v43 =	vld [tilespmem:s26+$0xFFFFFFC0]  }
0x81: {  	v44 =	vld [tilespmem:s26+$0xFFFFFFD0]  }
0x82: {  	v45 =	vld [tilespmem:s26+$0xFFFFFFE0]  }
0x83: {  	s28 =	simm.s32 $0x10A00;
	v46 =	vld [tilespmem:s26+$0xFFFFFFF0]  }
0x84: {  	v47 =	vld [tilespmem:s28+$0x70]  }
0x85: {  	v48 =	vld [tilespmem:s26+$0x0]  }
0x86: {  	v49 =	vld [tilespmem:s26+$0x10]  }
0x87: {  	v50 =	vld [tilespmem:s26+$0x20]  }
0x88: {  	v51 =	vld [tilespmem:s26+$0x30]  }
0x89: {  	v52 =	vld [tilespmem:s26+$0x40]  }
0x8a: {  	v53 =	vld [tilespmem:s26+$0x50]  }
0x8b: {  	v54 =	vld [tilespmem:s26+$0x60]  }
0x8c: {  	v55 =	vld [tilespmem:s26+$0xFFFFFF80]  }
0x8d: {  	v57 =	vld [tilespmem:s28+$0xFFFFFFD0]  }
0x8e: {  	v58 =	vld [tilespmem:s28+$0xFFFFFFE0]  }
0x8f: {  	v59 =	vld [tilespmem:s28+$0xFFFFFFF0]  }
0x90: {  	v60 =	vld [tilespmem:s28+$0x0]  }
0x91: {  	v61 =	vld [tilespmem:s28+$0x10]  }
0x92: {  	v7 =	vld.idx.msk [tilespmem:v7+s5+$0x0], $0xffff  }
0x93: {  	v8 =	vld.idx.msk [tilespmem:v8+s5+$0x0], $0xffff  }
0x94: {  	v9 =	vld.idx.msk [tilespmem:v9+s5+$0x0], $0xffff  }
0x95: {  	v10 =	vld.idx.msk [tilespmem:v10+s5+$0x0], $0xffff  }
0x96: {  	v11 =	vld.idx.msk [tilespmem:v11+s5+$0x0], $0xffff  }
0x97: {  	v12 =	vld.idx.msk [tilespmem:v12+s5+$0x0], $0xffff  }
0x98: {  	v13 =	vld.idx.msk [tilespmem:v13+s5+$0x0], $0xffff  }
0x99: {  	v14 =	vld.idx.msk [tilespmem:v14+s5+$0x0], $0xffff  }
0x9a: {  	v23 =	vld.idx.msk [tilespmem:v23+s5+$0x0], $0xffff  }
0x9b: {  	v16 =	vld.idx.msk [tilespmem:v16+s5+$0x0], $0xffff  }
0x9c: {  	v17 =	vld.idx.msk [tilespmem:v17+s5+$0x0], $0xffff  }
0x9d: {  	v18 =	vld.idx.msk [tilespmem:v18+s5+$0x0], $0xffff  }
0x9e: {  	v19 =	vld.idx.msk [tilespmem:v19+s5+$0x0], $0xffff;
	v7 =	vmul.f32 v7, v15  }
0x9f: {  	v20 =	vld.idx.msk [tilespmem:v20+s5+$0x0], $0xffff;
	v23 =	vmul.f32 v23, v24  }
0xa0: {  	v21 =	vld.idx.msk [tilespmem:v21+s5+$0x0], $0xffff;
	(xrf2) =	vadd.scan.msk.f32 $0xffff, v7;
	v7 =	vmul.f32 v8, v25  }
0xa1: {  	v22 =	vld.idx.msk [tilespmem:v22+s5+$0x0], $0xffff;
	v8 =	vmul.f32 v9, v26;
	(xrf2) =	vadd.scan.msk.f32 $0xffff, v23  }
0xa2: {  	v39 =	vld.idx.msk [tilespmem:v39+s5+$0x0], $0xffff;
	v9 =	vmul.f32 v10, v27;
	(xrf2) =	vadd.scan.msk.f32 $0xffff, v7  }
0xa3: {  	v40 =	vld.idx.msk [tilespmem:v40+s5+$0x0], $0xffff;
	v7 =	vmul.f32 v11, v28;
	(xrf2) =	vadd.scan.msk.f32 $0xffff, v8  }
0xa4: {  	v56 =	vld.idx.msk [tilespmem:v49+s5+$0x0], $0xffff;
	v8 =	vmul.f32 v12, v29;
	(xrf2) =	vadd.scan.msk.f32 $0xffff, v9  }
0xa5: {  	v15 =	vld.idx.msk [tilespmem:v41+s5+$0x0], $0xffff;
	v9 =	vmul.f32 v13, v30;
	(xrf2) =	vadd.scan.msk.f32 $0xffff, v7  }
0xa6: {  	v24 =	vld.idx.msk [tilespmem:v42+s5+$0x0], $0xffff;
	v7 =	vmul.f32 v14, v31;
	(xrf2) =	vadd.scan.msk.f32 $0xffff, v8  }
0xa7: {  	v25 =	vld.idx.msk [tilespmem:v43+s5+$0x0], $0xffff;
	v8 =	vmul.f32 v39, v47;
	(xrf2) =	vadd.scan.msk.f32 $0xffff, v9  }
0xa8: {  	v26 =	vld.idx.msk [tilespmem:v45+s5+$0x0], $0xffff;
	v10 =	vmul.f32 v16, v32;
	(xrf2) =	vadd.scan.msk.f32 $0xffff, v7  }
0xa9: {  	v27 =	vld.idx.msk [tilespmem:v46+s5+$0x0], $0xffff;
	(xrf2) =	vadd.scan.msk.f32 $0xffff, v8  }
0xaa: {  	s29 =	simm.s32 $0x18900;
	v23 =	vld.idx.msk [tilespmem:v44+s5+$0x0], $0xffff;
	v14 =	vmul.f32 v17, v33;
	v17, _, _ =	vpop (xrf2);
	(xrf2) =	vadd.scan.msk.f32 $0xffff, v10  }
0xab: {  	v16 =	vmul.f32 v18, v34;
	v11 =	vld.idx.msk [tilespmem:v50+s5+$0x0], $0xffff;
	[tilespmem:s29+$0x70] =	vst v17;
	v18, _, _ =	vpop (xrf2)  }
0xac: {  	v12 =	vld.idx.msk [tilespmem:v55+s5+$0x0], $0xffff;
	v17 =	vmul.f32 v19, v35;
	(xrf2) =	vadd.scan.msk.f32 $0xffff, v14;
	[tilespmem:s29+$0xFFFFFF80] =	vst v18;
	v18, _, _ =	vpop (xrf2)  }
0xad: {  	v14 =	vmul.f32 v20, v36;
	v19 =	vmul.f32 v21, v37;
	(xrf2) =	vadd.scan.msk.f32 $0xffff, v16;
	v16 =	vld [tilespmem:s28+$0xFFFFFF80];
	[tilespmem:s29+$0xFFFFFF90] =	vst v18;
	v18, _, _ =	vpop (xrf2)  }
0xae: {  	v13 =	vld.idx.msk [tilespmem:v48+s5+$0x0], $0xffff;
	(xrf2) =	vadd.scan.msk.f32 $0xffff, v17;
	[tilespmem:s29+$0xFFFFFFA0] =	vst v18;
	v18, _, _ =	vpop (xrf2)  }
0xaf: {  	v9 =	vld.idx.msk [tilespmem:v51+s5+$0x0], $0xffff;
	v20 =	vmul.f32 v22, v38;
	(xrf2) =	vadd.scan.msk.f32 $0xffff, v14;
	[tilespmem:s29+$0xFFFFFFB0] =	vst v18;
	v18, _, _ =	vpop (xrf2)  }
0xb0: {  	v17 =	vld [tilespmem:s28+$0xFFFFFF90];
	(xrf2) =	vadd.scan.msk.f32 $0xffff, v19;
	[tilespmem:s29+$0xFFFFFFC0] =	vst v18;
	v18, _, _ =	vpop (xrf2)  }
0xb1: {  	v7 =	vld.idx.msk [tilespmem:v53+s5+$0x0], $0xffff;
	(xrf2) =	vadd.scan.msk.f32 $0xffff, v20;
	v19, _, _ =	vpop (xrf2)  }
0xb2: {  	v8 =	vld.idx.msk [tilespmem:v52+s5+$0x0], $0xffff;
	[tilespmem:s29+$0xFFFFFFD0] =	vst v18;
	v12 =	vmul.f32 v12, v16;
	v18, _, _ =	vpop (xrf2)  }
0xb3: {  	v14 =	vld [tilespmem:s28+$0xFFFFFFA0];
	[tilespmem:s29+$0xFFFFFFE0] =	vst v19;
	v19, _, _ =	vpop (xrf2)  }
0xb4: {  	s30 =	simm.s32 $0x18A00;
	v21 =	vld [tilespmem:s28+$0xFFFFFFB0];
	[tilespmem:s29+$0xFFFFFFF0] =	vst v18;
	v18, _, _ =	vpop (xrf2);
	(xrf2) =	vadd.scan.msk.f32 $0xffff, v12  }
0xb5: {  	v22 =	vld [tilespmem:s28+$0xFFFFFFC0];
	v62 =	vmul.f32 v40, v17;
	[tilespmem:s30+$0x70] =	vst v19  }
0xb6: {  	v10 =	vld.idx.msk [tilespmem:v54+s5+$0x0], $0xffff;
	v19, _, _ =	vpop (xrf2);
	[tilespmem:s29+$0x0] =	vst v18  }
0xb7: {  	(xrf2) =	vadd.scan.msk.f32 $0xffff, v62;
	v18, _, _ =	vpop (xrf2);
	[tilespmem:s29+$0x10] =	vst v19;
	v19 =	vld [tilespmem:s28+$0x20]  }
0xb8: {  	v13 =	vmul.f32 v13, v60;
	v20 =	vld [tilespmem:s28+$0x30];
	v63 =	vmul.f32 v15, v14;
	[tilespmem:s29+$0x20] =	vst v18;
	v14, _, _ =	vpop (xrf2)  }
0xb9: {  	v16 =	vmul.f32 v23, v57;
	v18 =	vmul.f32 v24, v21;
	v21 =	vld [tilespmem:s28+$0x40];
	[tilespmem:s29+$0x30] =	vst v14;
	v12, _, _ =	vpop (xrf2)  }
0xba: {  	s31 =	simm.s32 $0x10F;
	v17 =	vmul.f32 v25, v22;
	v22 =	vld [tilespmem:s28+$0x50];
	v15 =	vmul.f32 v26, v58;
	(xrf2) =	vadd.scan.msk.f32 $0xffff, v63;
	[tilespmem:s29+$0x40] =	vst v12;
	v12, _, _ =	vpop (xrf2)  }
0xbb: {  	s4 =	simm.s32 $0x12B00;
	s26 =	simm.s32 $0x1A890;
	s0 =	simm.s32 $0x10;
	v23 =	vld [tilespmem:s28+$0x60];
	v14 =	vmul.f32 v27, v59;
	[tilespmem:s29+$0x50] =	vst v12;
	v12 =	vmul.f32 v56, v61;
	v24, _, _ =	vpop (xrf2)  }
.LBB2_7:
0xbc: {  	v25 =	vld [tilespmem:s4+$0x70];
	s0 =	sadd.s32 $0x10, s0;
	v11 =	vmul.f32 v11, v19;
	[tilespmem:s29+$0x60] =	vst v24;
	s29 =	smov.u32 s30  }
0xbd: {  	v19 =	vld [tilespmem:s4+$0xFFFFFF90];
	p0 =	slt.u32 s0, $0x1F0;
	v9 =	vmul.f32 v9, v20;
	(xrf2) =	vadd.scan.msk.f32 $0xffff, v18  }
0xbe: {  	v18 =	vld [tilespmem:s4+$0xFFFFFFA0];
	v20 =	vmul.f32 v8, v21;
	v8, _, _ =	vpop (xrf2)  }
0xbf: {  	v21 =	vld [tilespmem:s4+$0xFFFFFFB0];
	[tilespmem:s30+$0xFFFFFF80] =	vst v8;
	v22 =	vmul.f32 v7, v22  }
0xc0: {  	v7 =	vld [tilespmem:s4+$0xFFFFFFC0];
	v23 =	vmul.f32 v10, v23;
	(xrf2) =	vadd.scan.msk.f32 $0xffff, v17  }
0xc1: {  	v8 =	vld [tilespmem:s4+$0xFFFFFFD0];
	v10, _, _ =	vpop (xrf2)  }
0xc2: {  	v17 =	vld [tilespmem:s4+$0xFFFFFFE0];
	[tilespmem:s30+$0xFFFFFF90] =	vst v10  }
0xc3: {  	v10 =	vld [tilespmem:s4+$0xFFFFFFF0];
	(xrf2) =	vadd.scan.msk.f32 $0xffff, v16  }
0xc4: {  	s28 =	sadd.s32 $0x100, s28;
	v16 =	vld.idx.msk [tilespmem:v25+s5+$0x0], $0xffff;
	v24, _, _ =	vpop (xrf2)  }
0xc5: {  	v25 =	vld [tilespmem:s28+$0x70];
	[tilespmem:s30+$0xFFFFFFA0] =	vst v24  }
0xc6: {  	v24 =	vld [tilespmem:s4+$0x0];
	(xrf2) =	vadd.scan.msk.f32 $0xffff, v15  }
0xc7: {  	v15 =	vld [tilespmem:s4+$0x10];
	v26, _, _ =	vpop (xrf2)  }
0xc8: {  	v27 =	vld [tilespmem:s4+$0x20];
	[tilespmem:s30+$0xFFFFFFB0] =	vst v26  }
0xc9: {  	v26 =	vld [tilespmem:s4+$0x30];
	(xrf2) =	vadd.scan.msk.f32 $0xffff, v14  }
0xca: {  	v14 =	vld [tilespmem:s4+$0x40];
	v16 =	vmul.f32 v16, v25;
	v25, _, _ =	vpop (xrf2)  }
0xcb: {  	v28 =	vld [tilespmem:s4+$0x50];
	[tilespmem:s30+$0xFFFFFFC0] =	vst v25  }
0xcc: {  	v25 =	vld [tilespmem:s4+$0x60];
	(xrf2) =	vadd.scan.msk.f32 $0xffff, v16  }
0xcd: {  	v16 =	vld [tilespmem:s4+$0xFFFFFF80];
	v29, _, _ =	vpop (xrf2)  }
0xce: {  	v19 =	vld.idx.msk [tilespmem:v19+s5+$0x0], $0xffff;
	[tilespmem:s30+$0xFFFFFFD0] =	vst v29  }
0xcf: {  	v18 =	vld.idx.msk [tilespmem:v18+s5+$0x0], $0xffff;
	(xrf2) =	vadd.scan.msk.f32 $0xffff, v13  }
0xd0: {  	v13 =	vld.idx.msk [tilespmem:v21+s5+$0x0], $0xffff;
	v21, _, _ =	vpop (xrf2)  }
0xd1: {  	v29 =	vld.idx.msk [tilespmem:v7+s5+$0x0], $0xffff;
	[tilespmem:s30+$0xFFFFFFE0] =	vst v21  }
0xd2: {  	v21 =	vld.idx.msk [tilespmem:v8+s5+$0x0], $0xffff;
	(xrf2) =	vadd.scan.msk.f32 $0xffff, v12  }
0xd3: {  	v12 =	vld.idx.msk [tilespmem:v17+s5+$0x0], $0xffff;
	v7, _, _ =	vpop (xrf2)  }
0xd4: {  	v30 =	vld.idx.msk [tilespmem:v10+s5+$0x0], $0xffff;
	[tilespmem:s30+$0xFFFFFFF0] =	vst v7  }
0xd5: {  	v16 =	vld.idx.msk [tilespmem:v16+s5+$0x0], $0xffff;
	(xrf2) =	vadd.scan.msk.f32 $0xffff, v11  }
0xd6: {  	s30 =	sadd.s32 $0x100, s30;
	v24 =	vld.idx.msk [tilespmem:v24+s5+$0x0], $0xffff;
	v7, _, _ =	vpop (xrf2)  }
0xd7: {  	v31 =	vld.idx.msk [tilespmem:v15+s5+$0x0], $0xffff;
	[tilespmem:s30+$0x70] =	vst v7  }
0xd8: {  	v11 =	vld.idx.msk [tilespmem:v27+s5+$0x0], $0xffff;
	(xrf2) =	vadd.scan.msk.f32 $0xffff, v9  }
0xd9: {  	v9 =	vld.idx.msk [tilespmem:v26+s5+$0x0], $0xffff;
	v7, _, _ =	vpop (xrf2)  }
0xda: {  	v8 =	vld.idx.msk [tilespmem:v14+s5+$0x0], $0xffff;
	[tilespmem:s29+$0x0] =	vst v7  }
0xdb: {  	v7 =	vld.idx.msk [tilespmem:v28+s5+$0x0], $0xffff;
	(xrf2) =	vadd.scan.msk.f32 $0xffff, v20  }
0xdc: {  	v10 =	vld.idx.msk [tilespmem:v25+s5+$0x0], $0xffff;
	v14, _, _ =	vpop (xrf2)  }
0xdd: {  	v15 =	vld [tilespmem:s28+$0xFFFFFF80];
	[tilespmem:s29+$0x10] =	vst v14  }
0xde: {  	v14 =	vld [tilespmem:s28+$0xFFFFFF90];
	(xrf2) =	vadd.scan.msk.f32 $0xffff, v22  }
0xdf: {  	v17 =	vld [tilespmem:s28+$0xFFFFFFA0];
	v20, _, _ =	vpop (xrf2)  }
0xe0: {  	v22 =	vld [tilespmem:s28+$0xFFFFFFB0];
	[tilespmem:s29+$0x20] =	vst v20  }
0xe1: {  	v20 =	vld [tilespmem:s28+$0xFFFFFFC0];
	(xrf2) =	vadd.scan.msk.f32 $0xffff, v23  }
0xe2: {  	v27 =	vmul.f32 v16, v15;
	v16 =	vld [tilespmem:s28+$0xFFFFFFD0];
	v23, _, _ =	vpop (xrf2)  }
0xe3: {  	v14 =	vmul.f32 v19, v14;
	v25 =	vld [tilespmem:s28+$0xFFFFFFE0];
	[tilespmem:s29+$0x30] =	vst v23  }
0xe4: {  	v23 =	vmul.f32 v18, v17;
	v26 =	vld [tilespmem:s28+$0xFFFFFFF0];
	(xrf2) =	vadd.scan.msk.f32 $0xffff, v27  }
0xe5: {  	v18 =	vmul.f32 v13, v22;
	v13 =	vld [tilespmem:s28+$0x0];
	v15, _, _ =	vpop (xrf2)  }
0xe6: {  	v17 =	vmul.f32 v29, v20;
	v27 =	vld [tilespmem:s28+$0x10];
	[tilespmem:s29+$0x40] =	vst v15  }
.Ltmp5:
0xe7: {  	v16 =	vmul.f32 v21, v16;
	v19 =	vld [tilespmem:s28+$0x20];
	(xrf2) =	vadd.scan.msk.f32 $0xffff, v14;
	(pc) =	sbr.rel @p0 .LBB2_7-.Ltmp5, $4  }
0xe8: {  	v15 =	vmul.f32 v12, v25;
	v20 =	vld [tilespmem:s28+$0x30];
	v12, _, _ =	vpop (xrf2)  }
0xe9: {  	v14 =	vmul.f32 v30, v26;
	v21 =	vld [tilespmem:s28+$0x40];
	[tilespmem:s29+$0x50] =	vst v12  }
0xea: {  	v13 =	vmul.f32 v24, v13;
	v22 =	vld [tilespmem:s28+$0x50];
	(xrf2) =	vadd.scan.msk.f32 $0xffff, v23  }
0xeb: {  	s4 =	sadd.s32 $0x100, s4;
	v12 =	vmul.f32 v31, v27;
	v23 =	vld [tilespmem:s28+$0x60];
	v24, _, _ =	vpop (xrf2)  }
0xec: {  	(xrf2) =	vadd.scan.msk.f32 $0xffff, v18  }
0xed: {  	(xrf2) =	vadd.scan.msk.f32 $0xffff, v17  }
0xee: {  	(xrf2) =	vadd.scan.msk.f32 $0xffff, v16  }
0xef: {  	(xrf2) =	vadd.scan.msk.f32 $0xffff, v15  }
0xf0: {  	v11 =	vmul.f32 v11, v19;
	(xrf2) =	vadd.scan.msk.f32 $0xffff, v14  }
0xf1: {  	(xrf2) =	vadd.scan.msk.f32 $0xffff, v13  }
0xf2: {  	v9 =	vmul.f32 v9, v20;
	v8 =	vmul.f32 v8, v21;
	(xrf2) =	vadd.scan.msk.f32 $0xffff, v12  }
0xf3: {  	[tilespmem:s29+$0x60] =	vst v24;
	v7 =	vmul.f32 v7, v22;
	v12, _, _ =	vpop (xrf2);
	(xrf2) =	vadd.scan.msk.f32 $0xffff, v11  }
0xf4: {  	[tilespmem:s30+$0xFFFFFF80] =	vst v12;
	v11, _, _ =	vpop (xrf2);
	(xrf2) =	vadd.scan.msk.f32 $0xffff, v9  }
0xf5: {  	v9 =	vmul.f32 v10, v23;
	[tilespmem:s30+$0xFFFFFF90] =	vst v11;
	v10, _, _ =	vpop (xrf2);
	(xrf2) =	vadd.scan.msk.f32 $0xffff, v8  }
0xf6: {  	[tilespmem:s30+$0xFFFFFFA0] =	vst v10;
	v8, _, _ =	vpop (xrf2);
	(xrf2) =	vadd.scan.msk.f32 $0xffff, v7  }
0xf7: {  	[tilespmem:s30+$0xFFFFFFB0] =	vst v8;
	v7, _, _ =	vpop (xrf2);
	(xrf2) =	vadd.scan.msk.f32 $0xffff, v9  }
0xf8: {  	v8, _, _ =	vpop (xrf2);
	[tilespmem:s30+$0xFFFFFFC0] =	vst v7  }
0xf9: {  	v7, _, _ =	vpop (xrf2);
	[tilespmem:s30+$0xFFFFFFD0] =	vst v8  }
0xfa: {  	v8, _, _ =	vpop (xrf2);
	[tilespmem:s30+$0xFFFFFFE0] =	vst v7  }
0xfb: {  	v7, _, _ =	vpop (xrf2);
	[tilespmem:s30+$0xFFFFFFF0] =	vst v8  }
0xfc: {  	v8, _, _ =	vpop (xrf2);
	[tilespmem:s30+$0x0] =	vst v7  }
0xfd: {  	s0 =	simm.s32 $0xF;
	v7, _, _ =	vpop (xrf2);
	[tilespmem:s30+$0x10] =	vst v8  }
0xfe: {  	v8 =	vor.u32 s0, v1;
	[tilespmem:s30+$0x20] =	vst v7;
	v7, _, _ =	vpop (xrf2)  }
0xff: {  	[tilespmem:s30+$0x30] =	vst v7;
	v7, _, _ =	vpop (xrf2)  }
0x100: {  	[tilespmem:s30+$0x40] =	vst v7;
	v7, _, _ =	vpop (xrf2)  }
0x101: {  	[tilespmem:s30+$0x50] =	vst v7;
	v7, _, _ =	vpop (xrf2)  }
0x102: {  	[tilespmem:s30+$0x60] =	vst v7  }
0x103: {  	v7 =	vor.u32 s31, v1;
	v12 =	vld.idx.msk [tilespmem:v8+s12+$0x0], $0xffff;
	_ =	sdelay $0x1  }
0x104: {  	s31 =	simm.s32 $0x20F  }
0x105: {  	s2 =	simm.s32 $0x30F;
	v8 =	vor.u32 s31, v1  }
0x106: {  	s4 =	simm.s32 $0x40F;
	v9 =	vor.u32 s2, v1  }
0x107: {  	v10 =	vor.u32 s4, v1;
	v11 =	vld.idx.msk [tilespmem:v7+s12+$0x0], $0xffff;
	(xrf2) =	vadd.scan.msk.f32 $0xffff, v12;
	_ =	sdelay $0x2  }
0x108: {  	v8 =	vld.idx.msk [tilespmem:v8+s12+$0x0], $0xffff  }
0x109: {  	s29 =	simm.s32 $0x50F;
	v7 =	vld.idx.msk [tilespmem:v9+s12+$0x0], $0xffff  }
0x10a: {  	v13 =	vor.u32 s29, v1;
	v9 =	vld.idx.msk [tilespmem:v10+s12+$0x0], $0xffff;
	(xrf2) =	vadd.scan.msk.f32 $0xffff, v11;
	_ =	sdelay $0x1  }
0x10b: {  	s30 =	simm.s32 $0x60F  }
0x10c: {  	v15 =	vor.u32 s30, v1;
	(xrf2) =	vadd.scan.msk.f32 $0xffff, v8  }
0x10d: {  	s31 =	simm.s32 $0x70F;
	(xrf2) =	vadd.scan.msk.f32 $0xffff, v7  }
0x10e: {  	v14 =	vor.u32 s31, v1;
	v10 =	vld.idx.msk [tilespmem:v13+s12+$0x0], $0xffff;
	v13, _, _ =	vpop (xrf2);
	(xrf2) =	vadd.scan.msk.f32 $0xffff, v9;
	_ =	sdelay $0x1  }
0x10f: {  	s28 =	simm.s32 $0x80F  }
0x110: {  	s4 =	simm.s32 $0x90F;
	s2 =	simm.s32 $0x8;
	s0 =	simm.s32 $0x1A890;
	v13 =	vsub.f32 v13, v12;
	v12 =	vld.idx.msk [tilespmem:v15+s12+$0x0], $0xffff  }
.LBB2_9:
0x111: {  	s2 =	sadd.s32 $0x2, s2  }
0x112: {  	v15 =	vor.u32 s28, v1;
	s26 =	sadd.s32 $0x20, s26;
	v16, _, _ =	vpop (xrf2);
	v17 =	vmov v10;
	v10 =	vld.idx.msk [tilespmem:v14+s12+$0x0], $0xffff;
	v14 =	vor.u32 s4, v1;
	p0 =	slt.u32 s2, $0x1E  }
.Ltmp6:
0x113: {  	v16 =	vsub.f32 v16, v11;
	v11 =	vmov v7;
	v7 =	vmov v17;
	(pc) =	sbr.rel @p0 .LBB2_9-.Ltmp6, $4  }
0x114: {  	(xrf2) =	vadd.scan.msk.f32 $0xffff, v7;
	[tilespmem:s0+$0xFFFFFFF0] =	vst v13  }
0x115: {  	v13, _, _ =	vpop (xrf2);
	[tilespmem:s0+$0x0] =	vst v16;
	s0 =	smov.u32 s26  }
0x116: {  	s4 =	sadd.s32 $0x200, s4;
	v13 =	vsub.f32 v13, v8;
	v8 =	vmov v9  }
0x117: {  	s28 =	sadd.s32 $0xFFFFFF00, s4;
	v9 =	vmov v12;
	(xrf2) =	vadd.scan.msk.f32 $0xffff, v12;
	v12 =	vld.idx.msk [tilespmem:v15+s12+$0x0], $0xffff  }
0x118: {  	v15 =	vor.u32 s28, v1  }
0x119: {  	v16 =	vor.u32 s4, v1;
	_ =	sdelay $0x2  }
0x11a: {  	v14 =	vld.idx.msk [tilespmem:v14+s12+$0x0], $0xffff  }
0x11b: {  	v15 =	vld.idx.msk [tilespmem:v15+s12+$0x0], $0xffff  }
0x11c: {  	v16 =	vld.idx.msk [tilespmem:v16+s12+$0x0], $0xffff  }
0x11d: {  	(xrf2) =	vadd.scan.msk.f32 $0xffff, v10  }
0x11e: {  	(xrf2) =	vadd.scan.msk.f32 $0xffff, v12  }
0x11f: {  	(xrf2) =	vadd.scan.msk.f32 $0xffff, v14  }
0x120: {  	(xrf2) =	vadd.scan.msk.f32 $0xffff, v15  }
0x121: {  	(xrf2) =	vadd.scan.msk.f32 $0xffff, v16;
	_ =	sdelay $0x1  }
0x122: {  	v17, _, _ =	vpop (xrf2)  }
0x123: {  	v18, _, _ =	vpop (xrf2);
	v11 =	vsub.f32 v17, v11  }
0x124: {  	[tilespmem:s0+$0xFFFFFFF0] =	vst v13;
	v8 =	vsub.f32 v18, v8;
	v55, _, _ =	vpop (xrf2)  }
0x125: {  	s2 =	sadd.s32 $0x20, s26;
	[tilespmem:s0+$0x0] =	vst v11;
	v7 =	vsub.f32 v55, v7;
	v56, _, _ =	vpop (xrf2)  }
0x126: {  	[tilespmem:s2+$0xFFFFFFF0] =	vst v8;
	v57, _, _ =	vpop (xrf2);
	v8 =	vsub.f32 v56, v9  }
0x127: {  	s29 =	sadd.s32 $0x20, s2;
	[tilespmem:s2+$0x0] =	vst v7;
	v7 =	vsub.f32 v57, v10;
	v58, _, _ =	vpop (xrf2)  }
0x128: {  	[tilespmem:s29+$0xFFFFFFF0] =	vst v8;
	v8 =	vsub.f32 v58, v12;
	v59, _, _ =	vpop (xrf2)  }
0x129: {  	s30 =	sadd.s32 $0x20, s29;
	[tilespmem:s29+$0x0] =	vst v7;
	v7 =	vsub.f32 v59, v14;
	v60, _, _ =	vpop (xrf2)  }
0x12a: {  	[tilespmem:s30+$0xFFFFFFF0] =	vst v8;
	v8 =	vsub.f32 v60, v15;
	v61, _, _ =	vpop (xrf2)  }
0x12b: {  	s31 =	sadd.s32 $0x20, s30;
	[tilespmem:s30+$0x0] =	vst v7;
	v7 =	vsub.f32 v61, v16  }
0x12c: {  	[tilespmem:s31+$0xFFFFFFF0] =	vst v8  }
0x12d: {  	[tilespmem:s31+$0x0] =	vst v7  }
0x12e: {  	v7 =	vld.idx.msk [tilespmem:v3+s13+$0x0], $0xffff  }
0x12f: {  	v8 =	vld.idx.msk [tilespmem:v4+s12+$0x0], $0xffff;
	_ =	sdelay $0x4  }
0x130: {  	v7 =	vadd.f32 v8, v7;
	_ =	sdelay $0x1  }
0x131: {  	(xrf2) =	vadd.scan.msk.f32 $0xffff, v7;
	_ =	sdelay $0x9  }
0x132: {  	v8, _, _ =	vpop (xrf2)  }
0x133: {  	v8 =	vadd.f32 s25, v8;
	_ =	sdelay $0x1  }
0x134: {  	v7 =	vsub.f32 v8, v7;
	_ =	sdelay $0x1  }
0x135: {  	[tilespmem:$0x1AA80] =	vst v7  }
0x136: {  	v7 =	vld.idx.msk [tilespmem:v5+s13+$0x0], $0xffff  }
0x137: {  	v62 =	vld.idx.msk [tilespmem:v6+s12+$0x0], $0xffff;
	_ =	sdelay $0x4  }
0x138: {  	v7 =	vadd.f32 v62, v7;
	_ =	sdelay $0x1  }
0x139: {  	(xrf2) =	vadd.scan.msk.f32 $0xffff, v7;
	_ =	sdelay $0x4  }
0x13a: {  	s4 =	sshll.u32 s24, $0xD;
	p0 =	sne.s32 s22, $0x0  }
0x13b: {  	s0 =	sxor.u32 @!p0 $0xFFFFFFFF, s4  }
0x13c: {  	s0 =	sadd.s32 @!p0 s0, s18  }
0x13d: {  	p1 =	sgt.s32 @!p0 s0, $0x0  }
0x13e: {  	p1 =	por !p1, p0;
	v8 =	vbroadcast v8, $0xF  }
0x13f: {  	s0 =	simm.s32 @p1 $0x0;
	v63, _, _ =	vpop (xrf2)  }
0x140: {  	s0 =	smin.u32 @!p0 s0, $0x1FFF;
	v8 =	vadd.f32 v63, v8  }
0x141: {  	v9 =	vmov @!p0 s0  }
0x142: {  	v10 =	vshrl.u32 @!p0 v9, $0x4;
	(v2sf) =	vpush v8, $0xF  }
0x143: {  	v7 =	vsub.f32 v8, v7  }
0x144: {  	v8 =	vshrl.u32 @!p0 v9, $0x8  }
0x145: {  	s0 =	simm.s32 @!p0 $0x18880;
	[tilespmem:$0x1AA90] =	vst v7  }
0x146: {  	v7 =	vld.idx.msk @!p0 [tilespmem:v9+s0+$0x0], $0xffff;
	s0 =	simm.s32 @!p0 $0x1A880  }
0x147: {  	v9 =	vld.idx.msk @!p0 [tilespmem:v10+s0+$0x0], $0xffff  }
0x148: {  	s0 =	simm.s32 @!p0 $0x1AA80  }
0x149: {  	v8 =	vld.idx.msk @!p0 [tilespmem:v8+s0+$0x0], $0xffff  }
0x14a: {  	p1 =	sgt.s32 @!p0 s18, s4  }
0x14b: {  	vm0 =	vmxor @!p0 vm0, vm0;
	p1 =	por !p1, p0  }
0x14c: {  	vm0 =	vmneg @!p1 vm0;
	p1 =	sgt.s32 s23, $0x7F;
	v7 =	vadd.f32 @!p0 v9, v7  }
.Ltmp7:
0x14d: {  	_ = 	snop;
	(pc) =	sbr.rel @p1 .LBB2_14-.Ltmp7, $4  }
0x14e: {  	vm1 =	vcmask @!p0 $0x3F3C;
	v7 =	vadd.f32 @!p0 v8, v7  }
0x14f: {  	vm0 =	vmand @!p0 vm0, vm1  }
0x150: {  	v7 =	vnsel @!p0 vm0, $0x0, v7  }
0x151: {  	s0 =	smov.u32 s23;
	[tilespmem:$0x1AB00] =	vst @!p0 v7;
	s25 =	spop (v2sf)  }
0x152: {  	s2 =	sadd.s32 $0x2000, s4;
	v7 =	vmov s4  }
0x153: {  	s0 =	smov.u32 s23;
	v8 =	vmov s2;
	v9 =	vxor.u32 $0xFFFFFFFF, v7  }
.LBB2_12:
0x154: {  	s4 =	sshll.u32 s0, $0x4  }
0x155: {  	v10 =	vld [tilespmem:s4+$0x10000];
	_ =	sdelay $0x4  }
0x156: {  	(v2sf) =	vpush v10, $0x1;
	_ =	sdelay $0xe  }
0x157: {  	s26 =	spop (v2sf)  }
0x158: {  	p0 =	sgt.s32 s26, s2  }
0x159: {  	s28 =	sor.u32 @!p0 $0x1, s4;
	v10 =	vlaneseq.u32 @!p0  }
0x15a: {  	v10 =	vadd.s32 @!p0 s28, v10;
	_ =	sdelay $0x3  }
0x15b: {  	s28 =	simm.s32 @!p0 $0x10000  }
0x15c: {  	v10 =	vld.idx.msk @!p0 [tilespmem:v10+s28+$0x0], $0xffff;
	_ =	sdelay $0x4  }
0x15d: {  	v11 =	vadd.s32 @!p0 v9, v10  }
0x15e: {  	vm0 =	vgt.s32 @!p0 v11, $0x0  }
0x15f: {  	v11 =	vnsel @!p0 vm0, $0x0, v11  }
0x160: {  	v11 =	vmin.u32 @!p0 v11, $0x1FFF  }
0x161: {  	v12 =	vshrl.u32 @!p0 v11, $0x4  }
0x162: {  	v13 =	vshrl.u32 @!p0 v11, $0x8;
	_ =	sdelay $0x1  }
0x163: {  	s28 =	simm.s32 @!p0 $0x18880  }
0x164: {  	v11 =	vld.idx.msk @!p0 [tilespmem:v11+s28+$0x0], $0xffff;
	s28 =	simm.s32 @!p0 $0x1A880  }
0x165: {  	v12 =	vld.idx.msk @!p0 [tilespmem:v12+s28+$0x0], $0xffff;
	s28 =	simm.s32 @!p0 $0x1AA80  }
0x166: {  	p1 =	sle.s32 s26, s2;
	v13 =	vld.idx.msk @!p0 [tilespmem:v13+s28+$0x0], $0xffff;
	s28 =	simm.s32 $0x1  }
0x167: {  	s28 =	simm.s32 @!p1 $0x0  }
0x168: {  	s0 =	sadd.s32 s28, s0  }
0x169: {  	p1 =	sgt.s32 s0, $0x7F  }
0x16a: {  	v14 =	vld @!p0 [tilespmem:s4+$0x1AB10];
	p2 =	sle.s32 @!p1 s26, s2  }
0x16b: {  	v11 =	vadd.f32 @!p0 v12, v11;
	p2 =	por p1, !p2  }
.Ltmp8:
0x16c: {  	_ = 	snop;
	(pc) =	sbr.rel @!p2 .LBB2_12-.Ltmp8, $4  }
0x16d: {  	vm1 =	vle.s32 @!p0 v10, v8;
	vm0 =	vgt.s32 @!p0 v10, v7;
	v11 =	vadd.f32 @!p0 v13, v11  }
0x16e: {  	vm0 =	vmand @!p0 vm0, vm1  }
0x16f: {  	v10 =	vsel @!p0 vm0, v11, v14  }
0x170: {  	[tilespmem:s4+$0x1AB10] =	vst @!p0 v10  }
0x171: {  	s0 =	smov.u32 @p1 s0  }
.LBB2_14:
0x172: {  	s0 =	sadd.s32 $0xFFFFFFFF, s0  }
0x173: {  	p0 =	sgt.s32 s23, s0  }
0x174: {  	s0 =	smov.u32 @p0 s23  }
0x175: {  	s23 =	smov.u32 s0  }
.LBB2_15:
0x176: {  	s0 =	sadd.s32 $0x2, s24  }
0x177: {  	p0 =	sge.s32 s0, s20  }
0x178: {  	s0 =	sshll.u32 @!p0 s0, $0xA  }
0x179: {  	s0 =	sand.u32 @!p0 $0x1FFFFC00, s0  }
0x17a: {  	s4 =	simm.s32 @!p0 $0x0;
	s26 =	simm.s32 @!p0 $0x10880;
	s2 =	sadd.s32 @!p0 s1, s0  }
0x17b: {  	[tilespmem:s26], [sflag:$0x1] =	stream.linear.gather @!p0 [hbm4b:s2+s4], $0x2000, $0x38;
	[tilespmem:$0x1BB80] =	vst v63  }
0x17c: {  	s0 =	sadd.s32 @!p0 s3, s0;
	s26 =	sadd.s32 $0x1, s24;
	s2 =	simm.s32 @!p0 $0x12880  }
0x17d: {  	[tilespmem:s2], [sflag:$0x1] =	stream.linear.gather @!p0 [hbm4b:s0+s4], $0x2000, $0x38;
	[tilespmem:$0x1BB80] =	vst v63  }
0x17e: {  	p0 =	sge.s32 s26, s20  }
.Ltmp9:
0x17f: {  	_ = 	snop;
	(pc) =	sbr.rel @p0 .LBB2_25-.Ltmp9, $1  }
0x180: {  	_ =	sdelay $0x3  }
0x181: {  	_ =	swait.ge [sflag:s14], $0x2000  }
0x182: {  	[sflag:s14] =	ssyncset.done $0x0  }
0x183: {  	[sflag:s14] =	ssyncadd.s32 $0xFFFFE000  }
0x184: {  	_ =	swait.ge [sflag:s14], $0x2000  }
0x185: {  	[sflag:s14] =	ssyncset.done $0x0  }
0x186: {  	s0 =	simm.s32 $0x16900;
	[sflag:s14] =	ssyncadd.s32 $0xFFFFE000  }
0x187: {  	v7 =	vld [tilespmem:s0+$0x70]  }
0x188: {  	v8 =	vld [tilespmem:s0+$0xFFFFFF90]  }
0x189: {  	v9 =	vld [tilespmem:s0+$0xFFFFFFA0]  }
0x18a: {  	v10 =	vld [tilespmem:s0+$0xFFFFFFB0]  }
0x18b: {  	v11 =	vld [tilespmem:s0+$0xFFFFFFC0]  }
0x18c: {  	v12 =	vld [tilespmem:s0+$0xFFFFFFD0]  }
0x18d: {  	v13 =	vld [tilespmem:s0+$0xFFFFFFE0]  }
0x18e: {  	s2 =	simm.s32 $0x14900;
	v14 =	vld [tilespmem:s0+$0xFFFFFFF0]  }
0x18f: {  	v15 =	vld [tilespmem:s2+$0x70]  }
0x190: {  	v16 =	vld [tilespmem:s0+$0x0]  }
0x191: {  	v17 =	vld [tilespmem:s0+$0x10]  }
0x192: {  	v18 =	vld [tilespmem:s0+$0x20]  }
0x193: {  	v19 =	vld [tilespmem:s0+$0x30]  }
0x194: {  	v20 =	vld [tilespmem:s0+$0x40]  }
0x195: {  	v21 =	vld [tilespmem:s0+$0x50]  }
0x196: {  	v22 =	vld [tilespmem:s0+$0x60]  }
0x197: {  	v23 =	vld [tilespmem:s0+$0xFFFFFF80]  }
0x198: {  	v24 =	vld [tilespmem:s2+$0xFFFFFF80]  }
0x199: {  	v25 =	vld [tilespmem:s2+$0xFFFFFF90]  }
0x19a: {  	v26 =	vld [tilespmem:s2+$0xFFFFFFA0]  }
0x19b: {  	v27 =	vld [tilespmem:s2+$0xFFFFFFB0]  }
0x19c: {  	v28 =	vld [tilespmem:s2+$0xFFFFFFC0]  }
0x19d: {  	v29 =	vld [tilespmem:s2+$0xFFFFFFD0]  }
0x19e: {  	v30 =	vld [tilespmem:s2+$0xFFFFFFE0]  }
0x19f: {  	v31 =	vld [tilespmem:s2+$0xFFFFFFF0]  }
0x1a0: {  	v32 =	vld [tilespmem:s2+$0x0]  }
0x1a1: {  	v33 =	vld [tilespmem:s2+$0x10]  }
0x1a2: {  	v34 =	vld [tilespmem:s2+$0x20]  }
0x1a3: {  	v35 =	vld [tilespmem:s2+$0x30]  }
0x1a4: {  	v36 =	vld [tilespmem:s2+$0x40]  }
0x1a5: {  	v37 =	vld [tilespmem:s2+$0x50]  }
0x1a6: {  	s4 =	simm.s32 $0x16A00;
	v38 =	vld [tilespmem:s2+$0x60]  }
0x1a7: {  	v39 =	vld [tilespmem:s4+$0x70]  }
0x1a8: {  	v40 =	vld [tilespmem:s4+$0xFFFFFF90]  }
0x1a9: {  	v41 =	vld [tilespmem:s4+$0xFFFFFFA0]  }
0x1aa: {  	v42 =	vld [tilespmem:s4+$0xFFFFFFB0]  }
0x1ab: {  	v43 =	vld [tilespmem:s4+$0xFFFFFFC0]  }
0x1ac: {  	v44 =	vld [tilespmem:s4+$0xFFFFFFD0]  }
0x1ad: {  	v45 =	vld [tilespmem:s4+$0xFFFFFFE0]  }
0x1ae: {  	s29 =	simm.s32 $0x14A00;
	v46 =	vld [tilespmem:s4+$0xFFFFFFF0]  }
0x1af: {  	v47 =	vld [tilespmem:s29+$0x70]  }
0x1b0: {  	v48 =	vld [tilespmem:s4+$0x0]  }
0x1b1: {  	v49 =	vld [tilespmem:s4+$0x10]  }
0x1b2: {  	v50 =	vld [tilespmem:s4+$0x20]  }
0x1b3: {  	v51 =	vld [tilespmem:s4+$0x30]  }
0x1b4: {  	v52 =	vld [tilespmem:s4+$0x40]  }
0x1b5: {  	v53 =	vld [tilespmem:s4+$0x50]  }
0x1b6: {  	v54 =	vld [tilespmem:s4+$0x60]  }
0x1b7: {  	v55 =	vld [tilespmem:s4+$0xFFFFFF80]  }
0x1b8: {  	v57 =	vld [tilespmem:s29+$0xFFFFFFD0]  }
0x1b9: {  	v58 =	vld [tilespmem:s29+$0xFFFFFFE0]  }
0x1ba: {  	v59 =	vld [tilespmem:s29+$0xFFFFFFF0]  }
0x1bb: {  	v60 =	vld [tilespmem:s29+$0x0]  }
0x1bc: {  	v61 =	vld [tilespmem:s29+$0x10]  }
0x1bd: {  	v7 =	vld.idx.msk [tilespmem:v7+s5+$0x0], $0xffff  }
0x1be: {  	v8 =	vld.idx.msk [tilespmem:v8+s5+$0x0], $0xffff  }
0x1bf: {  	v9 =	vld.idx.msk [tilespmem:v9+s5+$0x0], $0xffff  }
0x1c0: {  	v10 =	vld.idx.msk [tilespmem:v10+s5+$0x0], $0xffff  }
0x1c1: {  	v11 =	vld.idx.msk [tilespmem:v11+s5+$0x0], $0xffff  }
0x1c2: {  	v12 =	vld.idx.msk [tilespmem:v12+s5+$0x0], $0xffff  }
0x1c3: {  	v13 =	vld.idx.msk [tilespmem:v13+s5+$0x0], $0xffff  }
0x1c4: {  	v14 =	vld.idx.msk [tilespmem:v14+s5+$0x0], $0xffff  }
0x1c5: {  	v23 =	vld.idx.msk [tilespmem:v23+s5+$0x0], $0xffff  }
0x1c6: {  	v16 =	vld.idx.msk [tilespmem:v16+s5+$0x0], $0xffff  }
0x1c7: {  	v17 =	vld.idx.msk [tilespmem:v17+s5+$0x0], $0xffff  }
0x1c8: {  	v18 =	vld.idx.msk [tilespmem:v18+s5+$0x0], $0xffff  }
0x1c9: {  	v19 =	vld.idx.msk [tilespmem:v19+s5+$0x0], $0xffff;
	v7 =	vmul.f32 v7, v15  }
0x1ca: {  	v20 =	vld.idx.msk [tilespmem:v20+s5+$0x0], $0xffff;
	v23 =	vmul.f32 v23, v24  }
0x1cb: {  	v21 =	vld.idx.msk [tilespmem:v21+s5+$0x0], $0xffff;
	(xrf2) =	vadd.scan.msk.f32 $0xffff, v7;
	v7 =	vmul.f32 v8, v25  }
0x1cc: {  	v22 =	vld.idx.msk [tilespmem:v22+s5+$0x0], $0xffff;
	v8 =	vmul.f32 v9, v26;
	(xrf2) =	vadd.scan.msk.f32 $0xffff, v23  }
0x1cd: {  	v39 =	vld.idx.msk [tilespmem:v39+s5+$0x0], $0xffff;
	v9 =	vmul.f32 v10, v27;
	(xrf2) =	vadd.scan.msk.f32 $0xffff, v7  }
0x1ce: {  	v40 =	vld.idx.msk [tilespmem:v40+s5+$0x0], $0xffff;
	v7 =	vmul.f32 v11, v28;
	(xrf2) =	vadd.scan.msk.f32 $0xffff, v8  }
0x1cf: {  	v56 =	vld.idx.msk [tilespmem:v49+s5+$0x0], $0xffff;
	v8 =	vmul.f32 v12, v29;
	(xrf2) =	vadd.scan.msk.f32 $0xffff, v9  }
0x1d0: {  	v15 =	vld.idx.msk [tilespmem:v41+s5+$0x0], $0xffff;
	v9 =	vmul.f32 v13, v30;
	(xrf2) =	vadd.scan.msk.f32 $0xffff, v7  }
0x1d1: {  	v24 =	vld.idx.msk [tilespmem:v42+s5+$0x0], $0xffff;
	v7 =	vmul.f32 v14, v31;
	(xrf2) =	vadd.scan.msk.f32 $0xffff, v8  }
0x1d2: {  	v25 =	vld.idx.msk [tilespmem:v43+s5+$0x0], $0xffff;
	v8 =	vmul.f32 v39, v47;
	(xrf2) =	vadd.scan.msk.f32 $0xffff, v9  }
0x1d3: {  	v26 =	vld.idx.msk [tilespmem:v45+s5+$0x0], $0xffff;
	v10 =	vmul.f32 v16, v32;
	(xrf2) =	vadd.scan.msk.f32 $0xffff, v7  }
0x1d4: {  	v27 =	vld.idx.msk [tilespmem:v46+s5+$0x0], $0xffff;
	(xrf2) =	vadd.scan.msk.f32 $0xffff, v8  }
0x1d5: {  	s30 =	simm.s32 $0x18900;
	v23 =	vld.idx.msk [tilespmem:v44+s5+$0x0], $0xffff;
	v14 =	vmul.f32 v17, v33;
	v17, _, _ =	vpop (xrf2);
	(xrf2) =	vadd.scan.msk.f32 $0xffff, v10  }
0x1d6: {  	v16 =	vmul.f32 v18, v34;
	v11 =	vld.idx.msk [tilespmem:v50+s5+$0x0], $0xffff;
	[tilespmem:s30+$0x70] =	vst v17;
	v18, _, _ =	vpop (xrf2)  }
0x1d7: {  	v12 =	vld.idx.msk [tilespmem:v55+s5+$0x0], $0xffff;
	v17 =	vmul.f32 v19, v35;
	(xrf2) =	vadd.scan.msk.f32 $0xffff, v14;
	[tilespmem:s30+$0xFFFFFF80] =	vst v18;
	v18, _, _ =	vpop (xrf2)  }
0x1d8: {  	v14 =	vmul.f32 v20, v36;
	v19 =	vmul.f32 v21, v37;
	(xrf2) =	vadd.scan.msk.f32 $0xffff, v16;
	v16 =	vld [tilespmem:s29+$0xFFFFFF80];
	[tilespmem:s30+$0xFFFFFF90] =	vst v18;
	v18, _, _ =	vpop (xrf2)  }
0x1d9: {  	v13 =	vld.idx.msk [tilespmem:v48+s5+$0x0], $0xffff;
	(xrf2) =	vadd.scan.msk.f32 $0xffff, v17;
	[tilespmem:s30+$0xFFFFFFA0] =	vst v18;
	v18, _, _ =	vpop (xrf2)  }
0x1da: {  	v9 =	vld.idx.msk [tilespmem:v51+s5+$0x0], $0xffff;
	v20 =	vmul.f32 v22, v38;
	(xrf2) =	vadd.scan.msk.f32 $0xffff, v14;
	[tilespmem:s30+$0xFFFFFFB0] =	vst v18;
	v18, _, _ =	vpop (xrf2)  }
0x1db: {  	v17 =	vld [tilespmem:s29+$0xFFFFFF90];
	(xrf2) =	vadd.scan.msk.f32 $0xffff, v19;
	[tilespmem:s30+$0xFFFFFFC0] =	vst v18;
	v18, _, _ =	vpop (xrf2)  }
0x1dc: {  	v7 =	vld.idx.msk [tilespmem:v53+s5+$0x0], $0xffff;
	(xrf2) =	vadd.scan.msk.f32 $0xffff, v20;
	v19, _, _ =	vpop (xrf2)  }
0x1dd: {  	v8 =	vld.idx.msk [tilespmem:v52+s5+$0x0], $0xffff;
	[tilespmem:s30+$0xFFFFFFD0] =	vst v18;
	v12 =	vmul.f32 v12, v16;
	v18, _, _ =	vpop (xrf2)  }
0x1de: {  	v14 =	vld [tilespmem:s29+$0xFFFFFFA0];
	[tilespmem:s30+$0xFFFFFFE0] =	vst v19;
	v19, _, _ =	vpop (xrf2)  }
0x1df: {  	s31 =	simm.s32 $0x18A00;
	v21 =	vld [tilespmem:s29+$0xFFFFFFB0];
	[tilespmem:s30+$0xFFFFFFF0] =	vst v18;
	v18, _, _ =	vpop (xrf2);
	(xrf2) =	vadd.scan.msk.f32 $0xffff, v12  }
0x1e0: {  	v22 =	vld [tilespmem:s29+$0xFFFFFFC0];
	v62 =	vmul.f32 v40, v17;
	[tilespmem:s31+$0x70] =	vst v19  }
0x1e1: {  	v10 =	vld.idx.msk [tilespmem:v54+s5+$0x0], $0xffff;
	v19, _, _ =	vpop (xrf2);
	[tilespmem:s30+$0x0] =	vst v18  }
0x1e2: {  	(xrf2) =	vadd.scan.msk.f32 $0xffff, v62;
	v18, _, _ =	vpop (xrf2);
	[tilespmem:s30+$0x10] =	vst v19;
	v19 =	vld [tilespmem:s29+$0x20]  }
0x1e3: {  	v13 =	vmul.f32 v13, v60;
	v20 =	vld [tilespmem:s29+$0x30];
	v63 =	vmul.f32 v15, v14;
	[tilespmem:s30+$0x20] =	vst v18;
	v14, _, _ =	vpop (xrf2)  }
0x1e4: {  	v16 =	vmul.f32 v23, v57;
	v18 =	vmul.f32 v24, v21;
	v21 =	vld [tilespmem:s29+$0x40];
	[tilespmem:s30+$0x30] =	vst v14;
	v12, _, _ =	vpop (xrf2)  }
0x1e5: {  	s28 =	simm.s32 $0x1A890;
	v17 =	vmul.f32 v25, v22;
	v22 =	vld [tilespmem:s29+$0x50];
	v15 =	vmul.f32 v26, v58;
	(xrf2) =	vadd.scan.msk.f32 $0xffff, v63;
	[tilespmem:s30+$0x40] =	vst v12;
	v12, _, _ =	vpop (xrf2)  }
0x1e6: {  	s0 =	simm.s32 $0x10F;
	s4 =	simm.s32 $0x10;
	s2 =	simm.s32 $0x16B00;
	v23 =	vld [tilespmem:s29+$0x60];
	v14 =	vmul.f32 v27, v59;
	[tilespmem:s30+$0x50] =	vst v12;
	v12 =	vmul.f32 v56, v61;
	v24, _, _ =	vpop (xrf2)  }
.LBB2_17:
0x1e7: {  	v25 =	vld [tilespmem:s2+$0x70];
	s4 =	sadd.s32 $0x10, s4;
	v11 =	vmul.f32 v11, v19;
	[tilespmem:s30+$0x60] =	vst v24;
	s30 =	smov.u32 s31  }
0x1e8: {  	v19 =	vld [tilespmem:s2+$0xFFFFFF90];
	p0 =	slt.u32 s4, $0x1F0;
	v9 =	vmul.f32 v9, v20;
	(xrf2) =	vadd.scan.msk.f32 $0xffff, v18  }
0x1e9: {  	v18 =	vld [tilespmem:s2+$0xFFFFFFA0];
	v20 =	vmul.f32 v8, v21;
	v8, _, _ =	vpop (xrf2)  }
0x1ea: {  	v21 =	vld [tilespmem:s2+$0xFFFFFFB0];
	[tilespmem:s31+$0xFFFFFF80] =	vst v8;
	v22 =	vmul.f32 v7, v22  }
0x1eb: {  	v7 =	vld [tilespmem:s2+$0xFFFFFFC0];
	v23 =	vmul.f32 v10, v23;
	(xrf2) =	vadd.scan.msk.f32 $0xffff, v17  }
0x1ec: {  	v8 =	vld [tilespmem:s2+$0xFFFFFFD0];
	v10, _, _ =	vpop (xrf2)  }
0x1ed: {  	v17 =	vld [tilespmem:s2+$0xFFFFFFE0];
	[tilespmem:s31+$0xFFFFFF90] =	vst v10  }
0x1ee: {  	v10 =	vld [tilespmem:s2+$0xFFFFFFF0];
	(xrf2) =	vadd.scan.msk.f32 $0xffff, v16  }
0x1ef: {  	s29 =	sadd.s32 $0x100, s29;
	v16 =	vld.idx.msk [tilespmem:v25+s5+$0x0], $0xffff;
	v24, _, _ =	vpop (xrf2)  }
0x1f0: {  	v25 =	vld [tilespmem:s29+$0x70];
	[tilespmem:s31+$0xFFFFFFA0] =	vst v24  }
0x1f1: {  	v24 =	vld [tilespmem:s2+$0x0];
	(xrf2) =	vadd.scan.msk.f32 $0xffff, v15  }
0x1f2: {  	v15 =	vld [tilespmem:s2+$0x10];
	v26, _, _ =	vpop (xrf2)  }
0x1f3: {  	v27 =	vld [tilespmem:s2+$0x20];
	[tilespmem:s31+$0xFFFFFFB0] =	vst v26  }
0x1f4: {  	v26 =	vld [tilespmem:s2+$0x30];
	(xrf2) =	vadd.scan.msk.f32 $0xffff, v14  }
0x1f5: {  	v14 =	vld [tilespmem:s2+$0x40];
	v16 =	vmul.f32 v16, v25;
	v25, _, _ =	vpop (xrf2)  }
0x1f6: {  	v28 =	vld [tilespmem:s2+$0x50];
	[tilespmem:s31+$0xFFFFFFC0] =	vst v25  }
0x1f7: {  	v25 =	vld [tilespmem:s2+$0x60];
	(xrf2) =	vadd.scan.msk.f32 $0xffff, v16  }
0x1f8: {  	v16 =	vld [tilespmem:s2+$0xFFFFFF80];
	v29, _, _ =	vpop (xrf2)  }
0x1f9: {  	v19 =	vld.idx.msk [tilespmem:v19+s5+$0x0], $0xffff;
	[tilespmem:s31+$0xFFFFFFD0] =	vst v29  }
0x1fa: {  	v18 =	vld.idx.msk [tilespmem:v18+s5+$0x0], $0xffff;
	(xrf2) =	vadd.scan.msk.f32 $0xffff, v13  }
0x1fb: {  	v13 =	vld.idx.msk [tilespmem:v21+s5+$0x0], $0xffff;
	v21, _, _ =	vpop (xrf2)  }
0x1fc: {  	v29 =	vld.idx.msk [tilespmem:v7+s5+$0x0], $0xffff;
	[tilespmem:s31+$0xFFFFFFE0] =	vst v21  }
0x1fd: {  	v21 =	vld.idx.msk [tilespmem:v8+s5+$0x0], $0xffff;
	(xrf2) =	vadd.scan.msk.f32 $0xffff, v12  }
0x1fe: {  	v12 =	vld.idx.msk [tilespmem:v17+s5+$0x0], $0xffff;
	v7, _, _ =	vpop (xrf2)  }
0x1ff: {  	v30 =	vld.idx.msk [tilespmem:v10+s5+$0x0], $0xffff;
	[tilespmem:s31+$0xFFFFFFF0] =	vst v7  }
0x200: {  	v16 =	vld.idx.msk [tilespmem:v16+s5+$0x0], $0xffff;
	(xrf2) =	vadd.scan.msk.f32 $0xffff, v11  }
0x201: {  	s31 =	sadd.s32 $0x100, s31;
	v24 =	vld.idx.msk [tilespmem:v24+s5+$0x0], $0xffff;
	v7, _, _ =	vpop (xrf2)  }
0x202: {  	v31 =	vld.idx.msk [tilespmem:v15+s5+$0x0], $0xffff;
	[tilespmem:s31+$0x70] =	vst v7  }
0x203: {  	v11 =	vld.idx.msk [tilespmem:v27+s5+$0x0], $0xffff;
	(xrf2) =	vadd.scan.msk.f32 $0xffff, v9  }
0x204: {  	v9 =	vld.idx.msk [tilespmem:v26+s5+$0x0], $0xffff;
	v7, _, _ =	vpop (xrf2)  }
0x205: {  	v8 =	vld.idx.msk [tilespmem:v14+s5+$0x0], $0xffff;
	[tilespmem:s30+$0x0] =	vst v7  }
0x206: {  	v7 =	vld.idx.msk [tilespmem:v28+s5+$0x0], $0xffff;
	(xrf2) =	vadd.scan.msk.f32 $0xffff, v20  }
0x207: {  	v10 =	vld.idx.msk [tilespmem:v25+s5+$0x0], $0xffff;
	v14, _, _ =	vpop (xrf2)  }
0x208: {  	v15 =	vld [tilespmem:s29+$0xFFFFFF80];
	[tilespmem:s30+$0x10] =	vst v14  }
0x209: {  	v14 =	vld [tilespmem:s29+$0xFFFFFF90];
	(xrf2) =	vadd.scan.msk.f32 $0xffff, v22  }
0x20a: {  	v17 =	vld [tilespmem:s29+$0xFFFFFFA0];
	v20, _, _ =	vpop (xrf2)  }
0x20b: {  	v22 =	vld [tilespmem:s29+$0xFFFFFFB0];
	[tilespmem:s30+$0x20] =	vst v20  }
0x20c: {  	v20 =	vld [tilespmem:s29+$0xFFFFFFC0];
	(xrf2) =	vadd.scan.msk.f32 $0xffff, v23  }
0x20d: {  	v27 =	vmul.f32 v16, v15;
	v16 =	vld [tilespmem:s29+$0xFFFFFFD0];
	v23, _, _ =	vpop (xrf2)  }
0x20e: {  	v14 =	vmul.f32 v19, v14;
	v25 =	vld [tilespmem:s29+$0xFFFFFFE0];
	[tilespmem:s30+$0x30] =	vst v23  }
0x20f: {  	v23 =	vmul.f32 v18, v17;
	v26 =	vld [tilespmem:s29+$0xFFFFFFF0];
	(xrf2) =	vadd.scan.msk.f32 $0xffff, v27  }
0x210: {  	v18 =	vmul.f32 v13, v22;
	v13 =	vld [tilespmem:s29+$0x0];
	v15, _, _ =	vpop (xrf2)  }
0x211: {  	v17 =	vmul.f32 v29, v20;
	v27 =	vld [tilespmem:s29+$0x10];
	[tilespmem:s30+$0x40] =	vst v15  }
.Ltmp10:
0x212: {  	v16 =	vmul.f32 v21, v16;
	v19 =	vld [tilespmem:s29+$0x20];
	(xrf2) =	vadd.scan.msk.f32 $0xffff, v14;
	(pc) =	sbr.rel @p0 .LBB2_17-.Ltmp10, $4  }
0x213: {  	v15 =	vmul.f32 v12, v25;
	v20 =	vld [tilespmem:s29+$0x30];
	v12, _, _ =	vpop (xrf2)  }
0x214: {  	v14 =	vmul.f32 v30, v26;
	v21 =	vld [tilespmem:s29+$0x40];
	[tilespmem:s30+$0x50] =	vst v12  }
0x215: {  	v13 =	vmul.f32 v24, v13;
	v22 =	vld [tilespmem:s29+$0x50];
	(xrf2) =	vadd.scan.msk.f32 $0xffff, v23  }
0x216: {  	s2 =	sadd.s32 $0x100, s2;
	v12 =	vmul.f32 v31, v27;
	v23 =	vld [tilespmem:s29+$0x60];
	v24, _, _ =	vpop (xrf2)  }
0x217: {  	(xrf2) =	vadd.scan.msk.f32 $0xffff, v18  }
0x218: {  	(xrf2) =	vadd.scan.msk.f32 $0xffff, v17  }
0x219: {  	(xrf2) =	vadd.scan.msk.f32 $0xffff, v16  }
0x21a: {  	(xrf2) =	vadd.scan.msk.f32 $0xffff, v15  }
0x21b: {  	v11 =	vmul.f32 v11, v19;
	(xrf2) =	vadd.scan.msk.f32 $0xffff, v14  }
0x21c: {  	(xrf2) =	vadd.scan.msk.f32 $0xffff, v13  }
0x21d: {  	v9 =	vmul.f32 v9, v20;
	v8 =	vmul.f32 v8, v21;
	(xrf2) =	vadd.scan.msk.f32 $0xffff, v12  }
0x21e: {  	[tilespmem:s30+$0x60] =	vst v24;
	v7 =	vmul.f32 v7, v22;
	v12, _, _ =	vpop (xrf2);
	(xrf2) =	vadd.scan.msk.f32 $0xffff, v11  }
0x21f: {  	[tilespmem:s31+$0xFFFFFF80] =	vst v12;
	v11, _, _ =	vpop (xrf2);
	(xrf2) =	vadd.scan.msk.f32 $0xffff, v9  }
0x220: {  	v9 =	vmul.f32 v10, v23;
	[tilespmem:s31+$0xFFFFFF90] =	vst v11;
	v10, _, _ =	vpop (xrf2);
	(xrf2) =	vadd.scan.msk.f32 $0xffff, v8  }
0x221: {  	[tilespmem:s31+$0xFFFFFFA0] =	vst v10;
	v8, _, _ =	vpop (xrf2);
	(xrf2) =	vadd.scan.msk.f32 $0xffff, v7  }
0x222: {  	[tilespmem:s31+$0xFFFFFFB0] =	vst v8;
	v7, _, _ =	vpop (xrf2);
	(xrf2) =	vadd.scan.msk.f32 $0xffff, v9  }
0x223: {  	v8, _, _ =	vpop (xrf2);
	[tilespmem:s31+$0xFFFFFFC0] =	vst v7  }
0x224: {  	v7, _, _ =	vpop (xrf2);
	[tilespmem:s31+$0xFFFFFFD0] =	vst v8  }
0x225: {  	v8, _, _ =	vpop (xrf2);
	[tilespmem:s31+$0xFFFFFFE0] =	vst v7  }
0x226: {  	v7, _, _ =	vpop (xrf2);
	[tilespmem:s31+$0xFFFFFFF0] =	vst v8  }
0x227: {  	v8, _, _ =	vpop (xrf2);
	[tilespmem:s31+$0x0] =	vst v7  }
0x228: {  	s2 =	simm.s32 $0xF;
	v7, _, _ =	vpop (xrf2);
	[tilespmem:s31+$0x10] =	vst v8  }
0x229: {  	v8 =	vor.u32 s2, v1;
	[tilespmem:s31+$0x20] =	vst v7;
	v7, _, _ =	vpop (xrf2)  }
0x22a: {  	[tilespmem:s31+$0x30] =	vst v7;
	v7, _, _ =	vpop (xrf2)  }
0x22b: {  	[tilespmem:s31+$0x40] =	vst v7;
	v7, _, _ =	vpop (xrf2)  }
0x22c: {  	[tilespmem:s31+$0x50] =	vst v7;
	v7, _, _ =	vpop (xrf2)  }
0x22d: {  	[tilespmem:s31+$0x60] =	vst v7  }
0x22e: {  	v7 =	vor.u32 s0, v1;
	v12 =	vld.idx.msk [tilespmem:v8+s12+$0x0], $0xffff;
	_ =	sdelay $0x1  }
0x22f: {  	s30 =	simm.s32 $0x20F  }
0x230: {  	s31 =	simm.s32 $0x30F;
	v8 =	vor.u32 s30, v1  }
0x231: {  	s2 =	simm.s32 $0x40F;
	v9 =	vor.u32 s31, v1  }
0x232: {  	v10 =	vor.u32 s2, v1;
	v11 =	vld.idx.msk [tilespmem:v7+s12+$0x0], $0xffff;
	(xrf2) =	vadd.scan.msk.f32 $0xffff, v12;
	_ =	sdelay $0x2  }
0x233: {  	v8 =	vld.idx.msk [tilespmem:v8+s12+$0x0], $0xffff  }
0x234: {  	s4 =	simm.s32 $0x50F;
	v7 =	vld.idx.msk [tilespmem:v9+s12+$0x0], $0xffff  }
0x235: {  	v13 =	vor.u32 s4, v1;
	v9 =	vld.idx.msk [tilespmem:v10+s12+$0x0], $0xffff;
	(xrf2) =	vadd.scan.msk.f32 $0xffff, v11;
	_ =	sdelay $0x1  }
0x236: {  	s30 =	simm.s32 $0x60F  }
0x237: {  	v15 =	vor.u32 s30, v1;
	(xrf2) =	vadd.scan.msk.f32 $0xffff, v8  }
0x238: {  	s31 =	simm.s32 $0x70F;
	(xrf2) =	vadd.scan.msk.f32 $0xffff, v7  }
0x239: {  	v14 =	vor.u32 s31, v1;
	v10 =	vld.idx.msk [tilespmem:v13+s12+$0x0], $0xffff;
	v13, _, _ =	vpop (xrf2);
	(xrf2) =	vadd.scan.msk.f32 $0xffff, v9;
	_ =	sdelay $0x1  }
0x23a: {  	s29 =	simm.s32 $0x80F  }
0x23b: {  	s4 =	simm.s32 $0x90F;
	s2 =	simm.s32 $0x8;
	s0 =	simm.s32 $0x1A890;
	v13 =	vsub.f32 v13, v12;
	v12 =	vld.idx.msk [tilespmem:v15+s12+$0x0], $0xffff  }
.LBB2_19:
0x23c: {  	s2 =	sadd.s32 $0x2, s2  }
0x23d: {  	v15 =	vor.u32 s29, v1;
	s28 =	sadd.s32 $0x20, s28;
	v16, _, _ =	vpop (xrf2);
	v17 =	vmov v10;
	v10 =	vld.idx.msk [tilespmem:v14+s12+$0x0], $0xffff;
	v14 =	vor.u32 s4, v1;
	p0 =	slt.u32 s2, $0x1E  }
.Ltmp11:
0x23e: {  	v16 =	vsub.f32 v16, v11;
	v11 =	vmov v7;
	v7 =	vmov v17;
	(pc) =	sbr.rel @p0 .LBB2_19-.Ltmp11, $4  }
0x23f: {  	(xrf2) =	vadd.scan.msk.f32 $0xffff, v7;
	[tilespmem:s0+$0xFFFFFFF0] =	vst v13  }
0x240: {  	v13, _, _ =	vpop (xrf2);
	[tilespmem:s0+$0x0] =	vst v16;
	s0 =	smov.u32 s28  }
0x241: {  	s4 =	sadd.s32 $0x200, s4;
	v13 =	vsub.f32 v13, v8;
	v8 =	vmov v9  }
0x242: {  	s29 =	sadd.s32 $0xFFFFFF00, s4;
	v9 =	vmov v12;
	(xrf2) =	vadd.scan.msk.f32 $0xffff, v12;
	v12 =	vld.idx.msk [tilespmem:v15+s12+$0x0], $0xffff  }
0x243: {  	v15 =	vor.u32 s29, v1  }
0x244: {  	v16 =	vor.u32 s4, v1;
	_ =	sdelay $0x2  }
0x245: {  	v14 =	vld.idx.msk [tilespmem:v14+s12+$0x0], $0xffff  }
0x246: {  	v15 =	vld.idx.msk [tilespmem:v15+s12+$0x0], $0xffff  }
0x247: {  	v16 =	vld.idx.msk [tilespmem:v16+s12+$0x0], $0xffff  }
0x248: {  	(xrf2) =	vadd.scan.msk.f32 $0xffff, v10  }
0x249: {  	(xrf2) =	vadd.scan.msk.f32 $0xffff, v12  }
0x24a: {  	(xrf2) =	vadd.scan.msk.f32 $0xffff, v14  }
0x24b: {  	(xrf2) =	vadd.scan.msk.f32 $0xffff, v15  }
0x24c: {  	(xrf2) =	vadd.scan.msk.f32 $0xffff, v16;
	_ =	sdelay $0x1  }
0x24d: {  	v17, _, _ =	vpop (xrf2)  }
0x24e: {  	v18, _, _ =	vpop (xrf2);
	v11 =	vsub.f32 v17, v11  }
0x24f: {  	[tilespmem:s0+$0xFFFFFFF0] =	vst v13;
	v8 =	vsub.f32 v18, v8;
	v55, _, _ =	vpop (xrf2)  }
0x250: {  	s2 =	sadd.s32 $0x20, s28;
	[tilespmem:s0+$0x0] =	vst v11;
	v7 =	vsub.f32 v55, v7;
	v56, _, _ =	vpop (xrf2)  }
0x251: {  	[tilespmem:s2+$0xFFFFFFF0] =	vst v8;
	v57, _, _ =	vpop (xrf2);
	v8 =	vsub.f32 v56, v9  }
0x252: {  	s29 =	sadd.s32 $0x20, s2;
	[tilespmem:s2+$0x0] =	vst v7;
	v7 =	vsub.f32 v57, v10;
	v58, _, _ =	vpop (xrf2)  }
0x253: {  	[tilespmem:s29+$0xFFFFFFF0] =	vst v8;
	v8 =	vsub.f32 v58, v12;
	v59, _, _ =	vpop (xrf2)  }
0x254: {  	s30 =	sadd.s32 $0x20, s29;
	[tilespmem:s29+$0x0] =	vst v7;
	v7 =	vsub.f32 v59, v14;
	v60, _, _ =	vpop (xrf2)  }
0x255: {  	[tilespmem:s30+$0xFFFFFFF0] =	vst v8;
	v8 =	vsub.f32 v60, v15;
	v61, _, _ =	vpop (xrf2)  }
0x256: {  	s31 =	sadd.s32 $0x20, s30;
	[tilespmem:s30+$0x0] =	vst v7;
	v7 =	vsub.f32 v61, v16  }
0x257: {  	[tilespmem:s31+$0xFFFFFFF0] =	vst v8  }
0x258: {  	[tilespmem:s31+$0x0] =	vst v7  }
0x259: {  	v7 =	vld.idx.msk [tilespmem:v3+s13+$0x0], $0xffff  }
0x25a: {  	v8 =	vld.idx.msk [tilespmem:v4+s12+$0x0], $0xffff;
	_ =	sdelay $0x4  }
0x25b: {  	v7 =	vadd.f32 v8, v7;
	_ =	sdelay $0x1  }
0x25c: {  	(xrf2) =	vadd.scan.msk.f32 $0xffff, v7;
	_ =	sdelay $0x9  }
0x25d: {  	v8, _, _ =	vpop (xrf2)  }
0x25e: {  	v8 =	vadd.f32 s25, v8;
	_ =	sdelay $0x1  }
0x25f: {  	v7 =	vsub.f32 v8, v7;
	_ =	sdelay $0x1  }
0x260: {  	[tilespmem:$0x1AA80] =	vst v7  }
0x261: {  	v7 =	vld.idx.msk [tilespmem:v5+s13+$0x0], $0xffff  }
0x262: {  	v62 =	vld.idx.msk [tilespmem:v6+s12+$0x0], $0xffff;
	_ =	sdelay $0x4  }
0x263: {  	v7 =	vadd.f32 v62, v7;
	_ =	sdelay $0x1  }
0x264: {  	(xrf2) =	vadd.scan.msk.f32 $0xffff, v7;
	_ =	sdelay $0x8  }
0x265: {  	v8 =	vbroadcast v8, $0xF  }
0x266: {  	v63, _, _ =	vpop (xrf2)  }
0x267: {  	v8 =	vadd.f32 v63, v8;
	_ =	sdelay $0x1  }
0x268: {  	(v2sf) =	vpush v8, $0xF;
	_ =	sdelay $0x9  }
0x269: {  	p0 =	sgt.s32 s23, $0x7F  }
.Ltmp12:
0x26a: {  	_ = 	snop;
	(pc) =	sbr.rel @p0 .LBB2_24-.Ltmp12, $3  }
0x26b: {  	_ = 	snop  }
0x26c: {  	v7 =	vsub.f32 v8, v7;
	_ =	sdelay $0x1  }
0x26d: {  	s0 =	smov.u32 s23;
	[tilespmem:$0x1AA90] =	vst v7;
	s25 =	spop (v2sf)  }
0x26e: {  	s0 =	sshll.u32 s26, $0xD  }
0x26f: {  	s2 =	sadd.s32 $0x2000, s0;
	v7 =	vmov s0  }
0x270: {  	s0 =	smov.u32 s23;
	v8 =	vmov s2;
	v9 =	vxor.u32 $0xFFFFFFFF, v7  }
.LBB2_22:
0x271: {  	s4 =	sshll.u32 s0, $0x4  }
0x272: {  	v10 =	vld [tilespmem:s4+$0x10000];
	_ =	sdelay $0x4  }
0x273: {  	(v2sf) =	vpush v10, $0x1;
	_ =	sdelay $0xe  }
0x274: {  	s26 =	spop (v2sf)  }
0x275: {  	p0 =	sgt.s32 s26, s2  }
0x276: {  	s28 =	sor.u32 @!p0 $0x1, s4;
	v10 =	vlaneseq.u32 @!p0  }
0x277: {  	v10 =	vadd.s32 @!p0 s28, v10;
	_ =	sdelay $0x3  }
0x278: {  	s28 =	simm.s32 @!p0 $0x10000  }
0x279: {  	v10 =	vld.idx.msk @!p0 [tilespmem:v10+s28+$0x0], $0xffff;
	_ =	sdelay $0x4  }
0x27a: {  	v11 =	vadd.s32 @!p0 v9, v10  }
0x27b: {  	vm0 =	vgt.s32 @!p0 v11, $0x0  }
0x27c: {  	v11 =	vnsel @!p0 vm0, $0x0, v11  }
0x27d: {  	v11 =	vmin.u32 @!p0 v11, $0x1FFF  }
0x27e: {  	v12 =	vshrl.u32 @!p0 v11, $0x4  }
0x27f: {  	v13 =	vshrl.u32 @!p0 v11, $0x8;
	_ =	sdelay $0x1  }
0x280: {  	s28 =	simm.s32 @!p0 $0x18880  }
0x281: {  	v11 =	vld.idx.msk @!p0 [tilespmem:v11+s28+$0x0], $0xffff;
	s28 =	simm.s32 @!p0 $0x1A880  }
0x282: {  	v12 =	vld.idx.msk @!p0 [tilespmem:v12+s28+$0x0], $0xffff;
	s28 =	simm.s32 @!p0 $0x1AA80  }
0x283: {  	p1 =	sle.s32 s26, s2;
	v13 =	vld.idx.msk @!p0 [tilespmem:v13+s28+$0x0], $0xffff;
	s28 =	simm.s32 $0x1  }
0x284: {  	s28 =	simm.s32 @!p1 $0x0  }
0x285: {  	s0 =	sadd.s32 s28, s0  }
0x286: {  	p1 =	sgt.s32 s0, $0x7F  }
0x287: {  	v14 =	vld @!p0 [tilespmem:s4+$0x1AB10];
	p2 =	sle.s32 @!p1 s26, s2  }
0x288: {  	v11 =	vadd.f32 @!p0 v12, v11;
	p2 =	por p1, !p2  }
.Ltmp13:
0x289: {  	_ = 	snop;
	(pc) =	sbr.rel @!p2 .LBB2_22-.Ltmp13, $4  }
0x28a: {  	vm1 =	vle.s32 @!p0 v10, v8;
	vm0 =	vgt.s32 @!p0 v10, v7;
	v11 =	vadd.f32 @!p0 v13, v11  }
0x28b: {  	vm0 =	vmand @!p0 vm0, vm1  }
0x28c: {  	v10 =	vsel @!p0 vm0, v11, v14  }
0x28d: {  	[tilespmem:s4+$0x1AB10] =	vst @!p0 v10  }
.Ltmp14:
0x28e: {  	_ = 	snop;
	(pc) =	sbr.rel .LBB2_23-.Ltmp14, $1  }
0x28f: {  	_ =	sdelay $0x3  }
.LBB2_26:
0x290: {  	s0 =	simm.s32 $0xF  }
0x291: {  	v7 =	vadd.s32 s0, v0;
	_ =	sdelay $0x2  }
0x292: {  	s30 =	simm.s32 $0x1AB10  }
0x293: {  	v8 =	vld [tilespmem:s30+$0x0]  }
0x294: {  	v7 =	vld.idx.msk [tilespmem:v7+s15+$0x0], $0xffff;
	_ =	sdelay $0x1  }
0x295: {  	s31 =	simm.s32 $0x1F  }
0x296: {  	v9 =	vadd.s32 s31, v0;
	_ =	sdelay $0x1  }
0x297: {  	v7 =	vsub.f32 v8, v7  }
0x298: {  	s0 =	simm.s32 $0x1B380  }
0x299: {  	[tilespmem:s0+$0x0] =	vst v7  }
0x29a: {  	s2 =	simm.s32 $0x1AB20;
	v7 =	vld.idx.msk [tilespmem:v9+s15+$0x0], $0xffff  }
0x29b: {  	v9 =	vld [tilespmem:s2+$0x0];
	_ =	sdelay $0x1  }
0x29c: {  	s4 =	simm.s32 $0x2F  }
0x29d: {  	v8 =	vadd.s32 s4, v0;
	s4 =	simm.s32 $0x3F  }
.LBB2_27:
0x29e: {  	p0 =	sne.s32 s4, $0x7FF  }
0x29f: {  	v7 =	vsub.f32 v9, v7  }
0x2a0: {  	s0 =	sadd.s32 $0x10, s0  }
0x2a1: {  	[tilespmem:s0+$0x0] =	vst v7  }
.Ltmp15:
0x2a2: {  	s2 =	sadd.s32 $0x10, s2;
	v7 =	vld.idx.msk [tilespmem:v8+s15+$0x0], $0xffff;
	(pc) =	sbr.rel @p0 .LBB2_27-.Ltmp15, $2  }
0x2a3: {  	v9 =	vld [tilespmem:s2+$0x0];
	_ =	sdelay $0x2  }
0x2a4: {  	v8 =	vadd.s32 s4, v0;
	s4 =	sadd.s32 $0x10, s4  }
0x2a5: {  	_ = 	snop  }
0x2a6: {  	v7 =	vsub.f32 v9, v7  }
0x2a7: {  	s0 =	sadd.s32 $0x10, s0  }
0x2a8: {  	[tilespmem:s0+$0x0] =	vst v7  }
0x2a9: {  	s2 =	sadd.s32 $0x10, s2;
	v7 =	vld.idx.msk [tilespmem:v8+s15+$0x0], $0xffff  }
0x2aa: {  	v8 =	vld [tilespmem:s2+$0x0];
	_ =	sdelay $0x4  }
0x2ab: {  	s17 =	sadd.s32 $0x1, s17;
	v7 =	vsub.f32 v8, v7  }
0x2ac: {  	p0 =	sne.s32 s17, s8;
	s0 =	sadd.s32 $0x10, s0  }
.Ltmp16:
0x2ad: {  	[tilespmem:s0+$0x0] =	vst v7;
	(pc) =	sbr.rel @p0 .LBB2_1-.Ltmp16, $4  }
0x2ae: {  	[hbm4b:s7+s5] =	stream.linear.scatter [tilespmem:s16], [sflag:$0x3], $0x800, $0x38;
	[tilespmem:$0x1BB80] =	vst v63  }
0x2af: {  	_ =	swait.ge [sflag:s9], $0x800  }
0x2b0: {  	[sflag:s9] =	ssyncset.done $0x0  }
0x2b1: {  	[sflag:s9] =	ssyncadd.s32 $0xFFFFF800  }
0x2b2: {  	_ =	sfence.sel $0x180000  }
0x2b3: {  	[bflag:$0x0] =	sbarrier.arrive $0xFFFF  }
0x2b4: {  	_ =	strace $0x90000047  }
0x2b5: {  	s0 =	stileid.u32;
	[bflag:$0x2] =	sbarrier.arrive $0xFFFF  }
0x2b6: {  	p0 =	sne.s32 s0, $0x0;
	s0 =	rddreg [dreg:$0x5]  }
0x2b7: {  	s0 =	sadd.s32 @!p0 $0x100000, s0  }
0x2b8: {  	[sflag:s0] =	ssyncadd.tile.s32 @!p0 $0x1;
	_ =	shalt  }
.Lfunc_end2:
_tile_overlayer_lowered:
.L_overlay_start_2:
0x2b9: {  	(tag) =	ssettag $0x2  }
0x2ba: {  	s0 =	rddreg [dreg:$0x0];
	s2 =	stileid.u32  }
0x2bb: {  	s1 =	rddreg [dreg:$0x1];
	p0 =	sne.s32 s2, $0x0  }
0x2bc: {  	s3 =	rddreg [dreg:$0x2];
	[bflag:$0x3] =	sbarrier.arrive $0xFFFF;
	s2 =	simm.s32 @!p0 $0x1C03  }
0x2bd: {  	[timem:s3], [sflag:s2] =	dma.local @!p0 [hbm:s0], s1  }
0x2be: {  	s0 =	simm.s32 @!p0 $0x3  }
0x2bf: {  	_ =	swait.ge @!p0 [sflag:s0], s1  }
0x2c0: {  	s1 =	ssub.s32 @!p0 $0x0, s1;
	[sflag:s0] =	ssyncset.done @!p0 $0x0  }
0x2c1: {  	[sflag:s0] =	ssyncadd.s32 @!p0 s1  }
0x2c2: {  	[bflag:$0x3] =	sbarrier.arrive $0xFFFF  }
0x2c3: {  	_ =	shalt  }

</sc_bundles>
